<compile_context>
chip_gen: v7x
topology: tpu7x:2x2x1
jax: 0.10.2.dev20260603
libtpu: 0.0.44.dev20260713+nightly
codegen_flags: <defaults>
</compile_context>

<pallas_src>
import jax
import jax.numpy as jnp
from jax import lax
from jax.experimental import pallas as pl
from jax.experimental.pallas import tpu as pltpu
from jax.experimental.pallas import tpu_sc as plsc

SEQ = 2048
DIM = 256
BATCH = 4
NC = 2
NS = 16
NW = NC * NS
S_PER_W = SEQ // NW
NQ = BATCH // 2
LANES = 16
DCHUNKS = DIM // LANES


def _emb_body(x_hbm, tok_hbm, pos_hbm, out_hbm, idx_v, tok_v, pos_v,
              idx_sem, pos_sem, gat_sem, st_sem):
    wid = lax.axis_index("s") * NC + lax.axis_index("c")
    s0 = wid * S_PER_W

    idx_cp = pltpu.async_copy(x_hbm.at[wid], idx_v, idx_sem)
    pos_cp = pltpu.async_copy(pos_hbm.at[pl.ds(s0, S_PER_W)], pos_v, pos_sem)

    idx_cp.wait()
    gathers = [
        pltpu.async_copy(tok_hbm.at[idx_v.at[q]], tok_v.at[q], gat_sem)
        for q in range(NQ)
    ]
    pos_cp.wait()

    stores = []
    for q in range(NQ):
        gathers[q].wait()

        @plsc.parallel_loop(0, S_PER_W)
        def _add(r):
            for c in range(DCHUNKS):
                sl = pl.ds(c * LANES, LANES)
                p = pos_v[r, sl]
                plsc.addupdate(tok_v.at[q, r, sl], p)
                plsc.addupdate(tok_v.at[q, S_PER_W + r, sl], p)

        for i in range(2):
            b = 2 * q + i
            stores.append(pltpu.async_copy(
                tok_v.at[q, pl.ds(i * S_PER_W, S_PER_W)],
                out_hbm.at[pl.ds(b * SEQ + s0, S_PER_W)], st_sem))
    for st in stores:
        st.wait()


def kernel(x, token_table, pos_table):
    B, S = x.shape
    xr = (x.astype(jnp.int32)
          .reshape(NQ, 2, NW, S_PER_W)
          .transpose(2, 0, 1, 3)
          .reshape(NW, NQ, 2 * S_PER_W))
    call = pl.kernel(
        _emb_body,
        out_type=jax.ShapeDtypeStruct((B * S, DIM), jnp.float32),
        mesh=plsc.VectorSubcoreMesh(core_axis_name="c", subcore_axis_name="s"),
        scratch_types=[
            pltpu.VMEM((NQ, 2 * S_PER_W), jnp.int32),
            pltpu.VMEM((NQ, 2 * S_PER_W, DIM), jnp.float32),
            pltpu.VMEM((S_PER_W, DIM), jnp.float32),
            pltpu.SemaphoreType.DMA,
            pltpu.SemaphoreType.DMA,
            pltpu.SemaphoreType.DMA,
            pltpu.SemaphoreType.DMA,
        ],
    )
    out = call(xr, token_table, pos_table)
    return out.reshape(B, S, DIM)

# --- scband reference (transcript-rebuilt; emitter-appended) ---
"""Pipeline reference for scband-token-and-position-embedding-55061480734834 (READ-ONLY COPY).

The authoritative reference and input builder live on the scoring server;
editing this copy changes nothing except your own understanding.
"""

import jax, jax.numpy as jnp
import numpy as np

SEQ_LEN = 2048
VOCAB_SIZE = 100000
EMBED_DIM = 256
BATCH = 4


def setup_inputs(seed: int = 0) -> dict:
    key = jax.random.key(seed)
    k1, k2, k3 = jax.random.split(key, 3)
    x = jax.random.randint(k1, (BATCH, SEQ_LEN), 0, VOCAB_SIZE, dtype=jnp.int64 if jax.config.jax_enable_x64 else jnp.int32)
    # Learned parameters: token embedding table and positional embedding table
    token_table = jax.random.normal(k2, (VOCAB_SIZE, EMBED_DIM), dtype=jnp.float32) * 0.05
    pos_table = jax.random.normal(k3, (SEQ_LEN, EMBED_DIM), dtype=jnp.float32) * 0.05
    return {"x": x, "token_table": token_table, "pos_table": pos_table}


def reference(x, token_table, pos_table):
    # Faithful translation of TokenAndPositionEmbedding.call
    seq_len = x.shape[-1]
    positions = jnp.arange(0, seq_len, 1)
    pos_embedded = jnp.take(pos_table, positions, axis=0)   # [seq_len, embed_dim]
    tok_embedded = jnp.take(token_table, x, axis=0)          # [B, seq_len, embed_dim]
    return tok_embedded + pos_embedded

if __name__ == "__main__":
    import jax
    _d = setup_inputs()
    print(jax.jit(kernel)(*tuple(_d.values())))

</pallas_src>

<mosaic_0001>
#map = affine_map<(d0, d1) -> (0, 0, 0)>
#map1 = affine_map<(d0, d1) -> (0, 0)>
module attributes {stable_mosaic.version = 14 : i64} {
  func.func @_emb_body(%arg0: i32, %arg1: i32, %arg2: memref<32x2x128xi32, #tpu.memory_space<hbm>>, %arg3: memref<100000x256xf32, #tpu.memory_space<hbm>>, %arg4: memref<2048x256xf32, #tpu.memory_space<hbm>>, %arg5: memref<8192x256xf32, #tpu.memory_space<hbm>>, %arg6: memref<2x128xi32, #tpu.memory_space<vmem>>, %arg7: memref<2x128x256xf32, #tpu.memory_space<vmem>>, %arg8: memref<64x256xf32, #tpu.memory_space<vmem>>, %arg9: memref<!tpu.dma_semaphore, #tpu.memory_space<semaphore_mem>>, %arg10: memref<!tpu.dma_semaphore, #tpu.memory_space<semaphore_mem>>, %arg11: memref<!tpu.dma_semaphore, #tpu.memory_space<semaphore_mem>>, %arg12: memref<!tpu.dma_semaphore, #tpu.memory_space<semaphore_mem>>) attributes {dimension_semantics = [#tpu.dimension_semantics<core_parallel>, #tpu.dimension_semantics<subcore_parallel>], iteration_bounds = array<i64: 2, 16>, scalar_prefetch = 0 : i64, scratch_operands = 7 : i64, tpu.core_type = #tpu.core_type<sc_vector_subcore>, window_params = [{transform_indices = #map}, {transform_indices = #map1}, {transform_indices = #map1}, {transform_indices = #map1}]} {
    %mul3A = arith.constant 2 : i32
    %mul3A_0 = arith.muli %arg1, %mul3A : i32
    %add3A = arith.addi %mul3A_0, %arg0 : i32
    %mul3A_1 = arith.constant 64 : i32
    %mul3A_2 = arith.muli %add3A, %mul3A_1 : i32
    %dma_start3A = arith.constant 0 : i32
    %dma_start3A_3 = arith.constant 0 : i32
    %dma_start3A_4 = tpu.memref_slice %arg2[%add3A, %dma_start3A, %dma_start3A_3] : memref<32x2x128xi32, #tpu.memory_space<hbm>> -> memref<1x2x128xi32, #tpu.memory_space<hbm>>
    %dma_start3A_5 = tpu.memref_squeeze %dma_start3A_4 : memref<1x2x128xi32, #tpu.memory_space<hbm>> -> memref<2x128xi32, #tpu.memory_space<hbm>>
    %dma_start3A_6 = arith.constant 0 : i32
    %dma_start3A_7 = arith.constant 0 : i32
    %dma_start3A_8 = tpu.memref_slice %arg2[%add3A, %dma_start3A_6, %dma_start3A_7] : memref<32x2x128xi32, #tpu.memory_space<hbm>> -> memref<1x2x128xi32, #tpu.memory_space<hbm>>
    %dma_start3A_9 = tpu.memref_squeeze %dma_start3A_8 : memref<1x2x128xi32, #tpu.memory_space<hbm>> -> memref<2x128xi32, #tpu.memory_space<hbm>>
    tpu.enqueue_dma source(%dma_start3A_9 : memref<2x128xi32, #tpu.memory_space<hbm>>) target(%arg6 : memref<2x128xi32, #tpu.memory_space<vmem>>) target_semaphore(%arg9 : memref<!tpu.dma_semaphore, #tpu.memory_space<semaphore_mem>>)
    %dma_start3A_10 = arith.constant 0 : i32
    %dma_start3A_11 = tpu.memref_slice %arg4[%mul3A_2, %dma_start3A_10] : memref<2048x256xf32, #tpu.memory_space<hbm>> -> memref<64x256xf32, #tpu.memory_space<hbm>>
    %dma_start3A_12 = arith.constant 0 : i32
    %dma_start3A_13 = tpu.memref_slice %arg4[%mul3A_2, %dma_start3A_12] : memref<2048x256xf32, #tpu.memory_space<hbm>> -> memref<64x256xf32, #tpu.memory_space<hbm>>
    tpu.enqueue_dma source(%dma_start3A_13 : memref<64x256xf32, #tpu.memory_space<hbm>>) target(%arg8 : memref<64x256xf32, #tpu.memory_space<vmem>>) target_semaphore(%arg10 : memref<!tpu.dma_semaphore, #tpu.memory_space<semaphore_mem>>)
    %dma_wait3A = arith.constant 0 : i32
    %dma_wait3A_14 = arith.constant 0 : i32
    %dma_wait3A_15 = tpu.memref_slice %arg2[%add3A, %dma_wait3A, %dma_wait3A_14] : memref<32x2x128xi32, #tpu.memory_space<hbm>> -> memref<1x2x128xi32, #tpu.memory_space<hbm>>
    %dma_wait3A_16 = tpu.memref_squeeze %dma_wait3A_15 : memref<1x2x128xi32, #tpu.memory_space<hbm>> -> memref<2x128xi32, #tpu.memory_space<hbm>>
    %dma_wait3A_17 = arith.constant 0 : i32
    %dma_wait3A_18 = arith.constant 0 : i32
    %dma_wait3A_19 = tpu.memref_slice %arg2[%add3A, %dma_wait3A_17, %dma_wait3A_18] : memref<32x2x128xi32, #tpu.memory_space<hbm>> -> memref<1x2x128xi32, #tpu.memory_space<hbm>>
    %dma_wait3A_20 = tpu.memref_squeeze %dma_wait3A_19 : memref<1x2x128xi32, #tpu.memory_space<hbm>> -> memref<2x128xi32, #tpu.memory_space<hbm>>
    tpu.wait_dma2 semaphore(%arg9 : memref<!tpu.dma_semaphore, #tpu.memory_space<semaphore_mem>>) src(%dma_wait3A_20 : memref<2x128xi32, #tpu.memory_space<hbm>>) dst(%arg6 : memref<2x128xi32, #tpu.memory_space<vmem>>)
    %dma_start3A_21 = arith.constant 0 : i32
    %dma_start3A_22 = arith.constant 0 : i32
    %dma_start3A_23 = arith.constant 0 : i32
    %dma_start3A_24 = arith.constant 0 : i32
    %dma_start3A_25 = tpu.memref_slice %arg7[%dma_start3A_22, %dma_start3A_23, %dma_start3A_24] : memref<2x128x256xf32, #tpu.memory_space<vmem>> -> memref<1x128x256xf32, #tpu.memory_space<vmem>>
    %dma_start3A_26 = tpu.memref_squeeze %dma_start3A_25 : memref<1x128x256xf32, #tpu.memory_space<vmem>> -> memref<128x256xf32, #tpu.memory_space<vmem>>
    %dma_start3A_27 = arith.constant 0 : i32
    %dma_start3A_28 = tpu.memref_slice %arg6[%dma_start3A_21, %dma_start3A_27] : memref<2x128xi32, #tpu.memory_space<vmem>> -> memref<1x128xi32, #tpu.memory_space<vmem>>
    %dma_start3A_29 = tpu.memref_squeeze %dma_start3A_28 : memref<1x128xi32, #tpu.memory_space<vmem>> -> memref<128xi32, #tpu.memory_space<vmem>>
    %dma_start3A_30 = arith.constant 0 : i32
    %dma_start3A_31 = arith.constant 0 : i32
    %dma_start3A_32 = tpu.memref_slice %arg3[%dma_start3A_30, %dma_start3A_31] : memref<100000x256xf32, #tpu.memory_space<hbm>> -> memref<100000x256xf32, #tpu.memory_space<hbm>>
    tpu.enqueue_indirect_dma source(%dma_start3A_32 : memref<100000x256xf32, #tpu.memory_space<hbm>>) target(%dma_start3A_26 : memref<128x256xf32, #tpu.memory_space<vmem>>) offsets(%dma_start3A_29 : memref<128xi32, #tpu.memory_space<vmem>>) semaphore(%arg11 : memref<!tpu.dma_semaphore, #tpu.memory_space<semaphore_mem>>)
    %dma_start3A_33 = arith.constant 1 : i32
    %dma_start3A_34 = arith.constant 1 : i32
    %dma_start3A_35 = arith.constant 0 : i32
    %dma_start3A_36 = arith.constant 0 : i32
    %dma_start3A_37 = tpu.memref_slice %arg7[%dma_start3A_34, %dma_start3A_35, %dma_start3A_36] : memref<2x128x256xf32, #tpu.memory_space<vmem>> -> memref<1x128x256xf32, #tpu.memory_space<vmem>>
    %dma_start3A_38 = tpu.memref_squeeze %dma_start3A_37 : memref<1x128x256xf32, #tpu.memory_space<vmem>> -> memref<128x256xf32, #tpu.memory_space<vmem>>
    %dma_start3A_39 = arith.constant 0 : i32
    %dma_start3A_40 = tpu.memref_slice %arg6[%dma_start3A_33, %dma_start3A_39] : memref<2x128xi32, #tpu.memory_space<vmem>> -> memref<1x128xi32, #tpu.memory_space<vmem>>
    %dma_start3A_41 = tpu.memref_squeeze %dma_start3A_40 : memref<1x128xi32, #tpu.memory_space<vmem>> -> memref<128xi32, #tpu.memory_space<vmem>>
    %dma_start3A_42 = arith.constant 0 : i32
    %dma_start3A_43 = arith.constant 0 : i32
    %dma_start3A_44 = tpu.memref_slice %arg3[%dma_start3A_42, %dma_start3A_43] : memref<100000x256xf32, #tpu.memory_space<hbm>> -> memref<100000x256xf32, #tpu.memory_space<hbm>>
    tpu.enqueue_indirect_dma source(%dma_start3A_44 : memref<100000x256xf32, #tpu.memory_space<hbm>>) target(%dma_start3A_38 : memref<128x256xf32, #tpu.memory_space<vmem>>) offsets(%dma_start3A_41 : memref<128xi32, #tpu.memory_space<vmem>>) semaphore(%arg11 : memref<!tpu.dma_semaphore, #tpu.memory_space<semaphore_mem>>)
    %dma_wait3A_45 = arith.constant 0 : i32
    %dma_wait3A_46 = tpu.memref_slice %arg4[%mul3A_2, %dma_wait3A_45] : memref<2048x256xf32, #tpu.memory_space<hbm>> -> memref<64x256xf32, #tpu.memory_space<hbm>>
    %dma_wait3A_47 = arith.constant 0 : i32
    %dma_wait3A_48 = tpu.memref_slice %arg4[%mul3A_2, %dma_wait3A_47] : memref<2048x256xf32, #tpu.memory_space<hbm>> -> memref<64x256xf32, #tpu.memory_space<hbm>>
    tpu.wait_dma2 semaphore(%arg10 : memref<!tpu.dma_semaphore, #tpu.memory_space<semaphore_mem>>) src(%dma_wait3A_48 : memref<64x256xf32, #tpu.memory_space<hbm>>) dst(%arg8 : memref<64x256xf32, #tpu.memory_space<vmem>>)
    %dma_wait3A_49 = arith.constant 0 : i32
    %dma_wait3A_50 = arith.constant 0 : i32
    %dma_wait3A_51 = arith.constant 0 : i32
    %dma_wait3A_52 = arith.constant 0 : i32
    %dma_wait3A_53 = tpu.memref_slice %arg7[%dma_wait3A_50, %dma_wait3A_51, %dma_wait3A_52] : memref<2x128x256xf32, #tpu.memory_space<vmem>> -> memref<1x128x256xf32, #tpu.memory_space<vmem>>
    %dma_wait3A_54 = tpu.memref_squeeze %dma_wait3A_53 : memref<1x128x256xf32, #tpu.memory_space<vmem>> -> memref<128x256xf32, #tpu.memory_space<vmem>>
    %dma_wait3A_55 = arith.constant 0 : i32
    %dma_wait3A_56 = tpu.memref_slice %arg6[%dma_wait3A_49, %dma_wait3A_55] : memref<2x128xi32, #tpu.memory_space<vmem>> -> memref<1x128xi32, #tpu.memory_space<vmem>>
    %dma_wait3A_57 = tpu.memref_squeeze %dma_wait3A_56 : memref<1x128xi32, #tpu.memory_space<vmem>> -> memref<128xi32, #tpu.memory_space<vmem>>
    %dma_wait3A_58 = arith.constant 0 : i32
    %dma_wait3A_59 = arith.constant 0 : i32
    %dma_wait3A_60 = tpu.memref_slice %arg3[%dma_wait3A_58, %dma_wait3A_59] : memref<100000x256xf32, #tpu.memory_space<hbm>> -> memref<100000x256xf32, #tpu.memory_space<hbm>>
    tpu.wait_indirect_dma semaphore(%arg11 : memref<!tpu.dma_semaphore, #tpu.memory_space<semaphore_mem>>) src(%dma_wait3A_60 : memref<100000x256xf32, #tpu.memory_space<hbm>>) dst(%dma_wait3A_54 : memref<128x256xf32, #tpu.memory_space<vmem>>)
    %parallel_loop3A = arith.constant 0 : i32
    %parallel_loop3A_61 = arith.constant 64 : i32
    %parallel_loop3A_62 = arith.constant 1 : i32
    scf.for %parallel_loop3A_190 = %parallel_loop3A to %parallel_loop3A_61 step %parallel_loop3A_62  : i32 {
      %parallel_loop3A_191 = arith.index_cast %parallel_loop3A_190 : i32 to index
      %parallel_loop3A_192 = arith.constant 0 : index
      %parallel_loop3A_193 = tpu.vector_load %arg8[%parallel_loop3A_191, %parallel_loop3A_192] {strides = array<i32>} : memref<64x256xf32, #tpu.memory_space<vmem>>, vector<1x16xf32>,
      %parallel_loop3A_194 = vector.shape_cast %parallel_loop3A_193 : vector<1x16xf32> to vector<16xf32>
      %parallel_loop3A_195 = arith.constant 0 : i32
      %parallel_loop3A_196 = arith.index_cast %parallel_loop3A_195 : i32 to index
      %parallel_loop3A_197 = arith.index_cast %parallel_loop3A_190 : i32 to index
      %parallel_loop3A_198 = arith.constant 0 : index
      %parallel_loop3A_199 = tpu.vector_load %arg7[%parallel_loop3A_196, %parallel_loop3A_197, %parallel_loop3A_198] {strides = array<i32>} : memref<2x128x256xf32, #tpu.memory_space<vmem>>, vector<1x1x16xf32>,
      %parallel_loop3A_200 = vector.shape_cast %parallel_loop3A_199 : vector<1x1x16xf32> to vector<16xf32>
      %parallel_loop3A_201 = vector.shape_cast %parallel_loop3A_194 : vector<16xf32> to vector<1x1x16xf32>
      tpu.vector_store %arg7[%parallel_loop3A_196, %parallel_loop3A_197, %parallel_loop3A_198], %parallel_loop3A_201 {add = true, strides = array<i32>} : memref<2x128x256xf32, #tpu.memory_space<vmem>>, vector<1x1x16xf32>,
      %parallel_loop3A_202 = arith.constant 64 : i32
      %parallel_loop3A_203 = arith.addi %parallel_loop3A_202, %parallel_loop3A_190 : i32
      %parallel_loop3A_204 = arith.constant 0 : i32
      %parallel_loop3A_205 = arith.index_cast %parallel_loop3A_204 : i32 to index
      %parallel_loop3A_206 = arith.index_cast %parallel_loop3A_203 : i32 to index
      %parallel_loop3A_207 = arith.constant 0 : index
      %parallel_loop3A_208 = tpu.vector_load %arg7[%parallel_loop3A_205, %parallel_loop3A_206, %parallel_loop3A_207] {strides = array<i32>} : memref<2x128x256xf32, #tpu.memory_space<vmem>>, vector<1x1x16xf32>,
      %parallel_loop3A_209 = vector.shape_cast %parallel_loop3A_208 : vector<1x1x16xf32> to vector<16xf32>
      %parallel_loop3A_210 = vector.shape_cast %parallel_loop3A_194 : vector<16xf32> to vector<1x1x16xf32>
      tpu.vector_store %arg7[%parallel_loop3A_205, %parallel_loop3A_206, %parallel_loop3A_207], %parallel_loop3A_210 {add = true, strides = array<i32>} : memref<2x128x256xf32, #tpu.memory_space<vmem>>, vector<1x1x16xf32>,
      %parallel_loop3A_211 = arith.index_cast %parallel_loop3A_190 : i32 to index
      %parallel_loop3A_212 = arith.constant 16 : index
      %parallel_loop3A_213 = tpu.vector_load %arg8[%parallel_loop3A_211, %parallel_loop3A_212] {strides = array<i32>} : memref<64x256xf32, #tpu.memory_space<vmem>>, vector<1x16xf32>,
      %parallel_loop3A_214 = vector.shape_cast %parallel_loop3A_213 : vector<1x16xf32> to vector<16xf32>
      %parallel_loop3A_215 = arith.constant 0 : i32
      %parallel_loop3A_216 = arith.index_cast %parallel_loop3A_215 : i32 to index
      %parallel_loop3A_217 = arith.index_cast %parallel_loop3A_190 : i32 to index
      %parallel_loop3A_218 = arith.constant 16 : index
      %parallel_loop3A_219 = tpu.vector_load %arg7[%parallel_loop3A_216, %parallel_loop3A_217, %parallel_loop3A_218] {strides = array<i32>} : memref<2x128x256xf32, #tpu.memory_space<vmem>>, vector<1x1x16xf32>,
      %parallel_loop3A_220 = vector.shape_cast %parallel_loop3A_219 : vector<1x1x16xf32> to vector<16xf32>
      %parallel_loop3A_221 = vector.shape_cast %parallel_loop3A_214 : vector<16xf32> to vector<1x1x16xf32>
      tpu.vector_store %arg7[%parallel_loop3A_216, %parallel_loop3A_217, %parallel_loop3A_218], %parallel_loop3A_221 {add = true, strides = array<i32>} : memref<2x128x256xf32, #tpu.memory_space<vmem>>, vector<1x1x16xf32>,
      %parallel_loop3A_222 = arith.constant 64 : i32
      %parallel_loop3A_223 = arith.addi %parallel_loop3A_222, %parallel_loop3A_190 : i32
      %parallel_loop3A_224 = arith.constant 0 : i32
      %parallel_loop3A_225 = arith.index_cast %parallel_loop3A_224 : i32 to index
      %parallel_loop3A_226 = arith.index_cast %parallel_loop3A_223 : i32 to index
      %parallel_loop3A_227 = arith.constant 16 : index
      %parallel_loop3A_228 = tpu.vector_load %arg7[%parallel_loop3A_225, %parallel_loop3A_226, %parallel_loop3A_227] {strides = array<i32>} : memref<2x128x256xf32, #tpu.memory_space<vmem>>, vector<1x1x16xf32>,
      %parallel_loop3A_229 = vector.shape_cast %parallel_loop3A_228 : vector<1x1x16xf32> to vector<16xf32>
      %parallel_loop3A_230 = vector.shape_cast %parallel_loop3A_214 : vector<16xf32> to vector<1x1x16xf32>
      tpu.vector_store %arg7[%parallel_loop3A_225, %parallel_loop3A_226, %parallel_loop3A_227], %parallel_loop3A_230 {add = true, strides = array<i32>} : memref<2x128x256xf32, #tpu.memory_space<vmem>>, vector<1x1x16xf32>,
      %parallel_loop3A_231 = arith.index_cast %parallel_loop3A_190 : i32 to index
      %parallel_loop3A_232 = arith.constant 32 : index
      %parallel_loop3A_233 = tpu.vector_load %arg8[%parallel_loop3A_231, %parallel_loop3A_232] {strides = array<i32>} : memref<64x256xf32, #tpu.memory_space<vmem>>, vector<1x16xf32>,
      %parallel_loop3A_234 = vector.shape_cast %parallel_loop3A_233 : vector<1x16xf32> to vector<16xf32>
      %parallel_loop3A_235 = arith.constant 0 : i32
      %parallel_loop3A_236 = arith.index_cast %parallel_loop3A_235 : i32 to index
      %parallel_loop3A_237 = arith.index_cast %parallel_loop3A_190 : i32 to index
      %parallel_loop3A_238 = arith.constant 32 : index
      %parallel_loop3A_239 = tpu.vector_load %arg7[%parallel_loop3A_236, %parallel_loop3A_237, %parallel_loop3A_238] {strides = array<i32>} : memref<2x128x256xf32, #tpu.memory_space<vmem>>, vector<1x1x16xf32>,
      %parallel_loop3A_240 = vector.shape_cast %parallel_loop3A_239 : vector<1x1x16xf32> to vector<16xf32>
      %parallel_loop3A_241 = vector.shape_cast %parallel_loop3A_234 : vector<16xf32> to vector<1x1x16xf32>
      tpu.vector_store %arg7[%parallel_loop3A_236, %parallel_loop3A_237, %parallel_loop3A_238], %parallel_loop3A_241 {add = true, strides = array<i32>} : memref<2x128x256xf32, #tpu.memory_space<vmem>>, vector<1x1x16xf32>,
      %parallel_loop3A_242 = arith.constant 64 : i32
      %parallel_loop3A_243 = arith.addi %parallel_loop3A_242, %parallel_loop3A_190 : i32
      %parallel_loop3A_244 = arith.constant 0 : i32
      %parallel_loop3A_245 = arith.index_cast %parallel_loop3A_244 : i32 to index
      %parallel_loop3A_246 = arith.index_cast %parallel_loop3A_243 : i32 to index
      %parallel_loop3A_247 = arith.constant 32 : index
      %parallel_loop3A_248 = tpu.vector_load %arg7[%parallel_loop3A_245, %parallel_loop3A_246, %parallel_loop3A_247] {strides = array<i32>} : memref<2x128x256xf32, #tpu.memory_space<vmem>>, vector<1x1x16xf32>,
      %parallel_loop3A_249 = vector.shape_cast %parallel_loop3A_248 : vector<1x1x16xf32> to vector<16xf32>
      %parallel_loop3A_250 = vector.shape_cast %parallel_loop3A_234 : vector<16xf32> to vector<1x1x16xf32>
      tpu.vector_store %arg7[%parallel_loop3A_245, %parallel_loop3A_246, %parallel_loop3A_247], %parallel_loop3A_250 {add = true, strides = array<i32>} : memref<2x128x256xf32, #tpu.memory_space<vmem>>, vector<1x1x16xf32>,
      %parallel_loop3A_251 = arith.index_cast %parallel_loop3A_190 : i32 to index
      %parallel_loop3A_252 = arith.constant 48 : index
      %parallel_loop3A_253 = tpu.vector_load %arg8[%parallel_loop3A_251, %parallel_loop3A_252] {strides = array<i32>} : memref<64x256xf32, #tpu.memory_space<vmem>>, vector<1x16xf32>,
      %parallel_loop3A_254 = vector.shape_cast %parallel_loop3A_253 : vector<1x16xf32> to vector<16xf32>
      %parallel_loop3A_255 = arith.constant 0 : i32
      %parallel_loop3A_256 = arith.index_cast %parallel_loop3A_255 : i32 to index
      %parallel_loop3A_257 = arith.index_cast %parallel_loop3A_190 : i32 to index
      %parallel_loop3A_258 = arith.constant 48 : index
      %parallel_loop3A_259 = tpu.vector_load %arg7[%parallel_loop3A_256, %parallel_loop3A_257, %parallel_loop3A_258] {strides = array<i32>} : memref<2x128x256xf32, #tpu.memory_space<vmem>>, vector<1x1x16xf32>,
      %parallel_loop3A_260 = vector.shape_cast %parallel_loop3A_259 : vector<1x1x16xf32> to vector<16xf32>
      %parallel_loop3A_261 = vector.shape_cast %parallel_loop3A_254 : vector<16xf32> to vector<1x1x16xf32>
      tpu.vector_store %arg7[%parallel_loop3A_256, %parallel_loop3A_257, %parallel_loop3A_258], %parallel_loop3A_261 {add = true, strides = array<i32>} : memref<2x128x256xf32, #tpu.memory_space<vmem>>, vector<1x1x16xf32>,
      %parallel_loop3A_262 = arith.constant 64 : i32
      %parallel_loop3A_263 = arith.addi %parallel_loop3A_262, %parallel_loop3A_190 : i32
      %parallel_loop3A_264 = arith.constant 0 : i32
      %parallel_loop3A_265 = arith.index_cast %parallel_loop3A_264 : i32 to index
      %parallel_loop3A_266 = arith.index_cast %parallel_loop3A_263 : i32 to index
      %parallel_loop3A_267 = arith.constant 48 : index
      %parallel_loop3A_268 = tpu.vector_load %arg7[%parallel_loop3A_265, %parallel_loop3A_266, %parallel_loop3A_267] {strides = array<i32>} : memref<2x128x256xf32, #tpu.memory_space<vmem>>, vector<1x1x16xf32>,
      %parallel_loop3A_269 = vector.shape_cast %parallel_loop3A_268 : vector<1x1x16xf32> to vector<16xf32>
      %parallel_loop3A_270 = vector.shape_cast %parallel_loop3A_254 : vector<16xf32> to vector<1x1x16xf32>
      tpu.vector_store %arg7[%parallel_loop3A_265, %parallel_loop3A_266, %parallel_loop3A_267], %parallel_loop3A_270 {add = true, strides = array<i32>} : memref<2x128x256xf32, #tpu.memory_space<vmem>>, vector<1x1x16xf32>,
      %parallel_loop3A_271 = arith.index_cast %parallel_loop3A_190 : i32 to index
      %parallel_loop3A_272 = arith.constant 64 : index
      %parallel_loop3A_273 = tpu.vector_load %arg8[%parallel_loop3A_271, %parallel_loop3A_272] {strides = array<i32>} : memref<64x256xf32, #tpu.memory_space<vmem>>, vector<1x16xf32>,
      %parallel_loop3A_274 = vector.shape_cast %parallel_loop3A_273 : vector<1x16xf32> to vector<16xf32>
      %parallel_loop3A_275 = arith.constant 0 : i32
      %parallel_loop3A_276 = arith.index_cast %parallel_loop3A_275 : i32 to index
      %parallel_loop3A_277 = arith.index_cast %parallel_loop3A_190 : i32 to index
      %parallel_loop3A_278 = arith.constant 64 : index
      %parallel_loop3A_279 = tpu.vector_load %arg7[%parallel_loop3A_276, %parallel_loop3A_277, %parallel_loop3A_278] {strides = array<i32>} : memref<2x128x256xf32, #tpu.memory_space<vmem>>, vector<1x1x16xf32>,
      %parallel_loop3A_280 = vector.shape_cast %parallel_loop3A_279 : vector<1x1x16xf32> to vector<16xf32>
      %parallel_loop3A_281 = vector.shape_cast %parallel_loop3A_274 : vector<16xf32> to vector<1x1x16xf32>
      tpu.vector_store %arg7[%parallel_loop3A_276, %parallel_loop3A_277, %parallel_loop3A_278], %parallel_loop3A_281 {add = true, strides = array<i32>} : memref<2x128x256xf32, #tpu.memory_space<vmem>>, vector<1x1x16xf32>,
      %parallel_loop3A_282 = arith.constant 64 : i32
      %parallel_loop3A_283 = arith.addi %parallel_loop3A_282, %parallel_loop3A_190 : i32
      %parallel_loop3A_284 = arith.constant 0 : i32
      %parallel_loop3A_285 = arith.index_cast %parallel_loop3A_284 : i32 to index
      %parallel_loop3A_286 = arith.index_cast %parallel_loop3A_283 : i32 to index
      %parallel_loop3A_287 = arith.constant 64 : index
      %parallel_loop3A_288 = tpu.vector_load %arg7[%parallel_loop3A_285, %parallel_loop3A_286, %parallel_loop3A_287] {strides = array<i32>} : memref<2x128x256xf32, #tpu.memory_space<vmem>>, vector<1x1x16xf32>,
      %parallel_loop3A_289 = vector.shape_cast %parallel_loop3A_288 : vector<1x1x16xf32> to vector<16xf32>
      %parallel_loop3A_290 = vector.shape_cast %parallel_loop3A_274 : vector<16xf32> to vector<1x1x16xf32>
      tpu.vector_store %arg7[%parallel_loop3A_285, %parallel_loop3A_286, %parallel_loop3A_287], %parallel_loop3A_290 {add = true, strides = array<i32>} : memref<2x128x256xf32, #tpu.memory_space<vmem>>, vector<1x1x16xf32>,
      %parallel_loop3A_291 = arith.index_cast %parallel_loop3A_190 : i32 to index
      %parallel_loop3A_292 = arith.constant 80 : index
      %parallel_loop3A_293 = tpu.vector_load %arg8[%parallel_loop3A_291, %parallel_loop3A_292] {strides = array<i32>} : memref<64x256xf32, #tpu.memory_space<vmem>>, vector<1x16xf32>,
      %parallel_loop3A_294 = vector.shape_cast %parallel_loop3A_293 : vector<1x16xf32> to vector<16xf32>
      %parallel_loop3A_295 = arith.constant 0 : i32
      %parallel_loop3A_296 = arith.index_cast %parallel_loop3A_295 : i32 to index
      %parallel_loop3A_297 = arith.index_cast %parallel_loop3A_190 : i32 to index
      %parallel_loop3A_298 = arith.constant 80 : index
      %parallel_loop3A_299 = tpu.vector_load %arg7[%parallel_loop3A_296, %parallel_loop3A_297, %parallel_loop3A_298] {strides = array<i32>} : memref<2x128x256xf32, #tpu.memory_space<vmem>>, vector<1x1x16xf32>,
      %parallel_loop3A_300 = vector.shape_cast %parallel_loop3A_299 : vector<1x1x16xf32> to vector<16xf32>
      %parallel_loop3A_301 = vector.shape_cast %parallel_loop3A_294 : vector<16xf32> to vector<1x1x16xf32>
      tpu.vector_store %arg7[%parallel_loop3A_296, %parallel_loop3A_297, %parallel_loop3A_298], %parallel_loop3A_301 {add = true, strides = array<i32>} : memref<2x128x256xf32, #tpu.memory_space<vmem>>, vector<1x1x16xf32>,
      %parallel_loop3A_302 = arith.constant 64 : i32
      %parallel_loop3A_303 = arith.addi %parallel_loop3A_302, %parallel_loop3A_190 : i32
      %parallel_loop3A_304 = arith.constant 0 : i32
      %parallel_loop3A_305 = arith.index_cast %parallel_loop3A_304 : i32 to index
      %parallel_loop3A_306 = arith.index_cast %parallel_loop3A_303 : i32 to index
      %parallel_loop3A_307 = arith.constant 80 : index
      %parallel_loop3A_308 = tpu.vector_load %arg7[%parallel_loop3A_305, %parallel_loop3A_306, %parallel_loop3A_307] {strides = array<i32>} : memref<2x128x256xf32, #tpu.memory_space<vmem>>, vector<1x1x16xf32>,
      %parallel_loop3A_309 = vector.shape_cast %parallel_loop3A_308 : vector<1x1x16xf32> to vector<16xf32>
      %parallel_loop3A_310 = vector.shape_cast %parallel_loop3A_294 : vector<16xf32> to vector<1x1x16xf32>
      tpu.vector_store %arg7[%parallel_loop3A_305, %parallel_loop3A_306, %parallel_loop3A_307], %parallel_loop3A_310 {add = true, strides = array<i32>} : memref<2x128x256xf32, #tpu.memory_space<vmem>>, vector<1x1x16xf32>,
      %parallel_loop3A_311 = arith.index_cast %parallel_loop3A_190 : i32 to index
      %parallel_loop3A_312 = arith.constant 96 : index
      %parallel_loop3A_313 = tpu.vector_load %arg8[%parallel_loop3A_311, %parallel_loop3A_312] {strides = array<i32>} : memref<64x256xf32, #tpu.memory_space<vmem>>, vector<1x16xf32>,
      %parallel_loop3A_314 = vector.shape_cast %parallel_loop3A_313 : vector<1x16xf32> to vector<16xf32>
      %parallel_loop3A_315 = arith.constant 0 : i32
      %parallel_loop3A_316 = arith.index_cast %parallel_loop3A_315 : i32 to index
      %parallel_loop3A_317 = arith.index_cast %parallel_loop3A_190 : i32 to index
      %parallel_loop3A_318 = arith.constant 96 : index
      %parallel_loop3A_319 = tpu.vector_load %arg7[%parallel_loop3A_316, %parallel_loop3A_317, %parallel_loop3A_318] {strides = array<i32>} : memref<2x128x256xf32, #tpu.memory_space<vmem>>, vector<1x1x16xf32>,
      %parallel_loop3A_320 = vector.shape_cast %parallel_loop3A_319 : vector<1x1x16xf32> to vector<16xf32>
      %parallel_loop3A_321 = vector.shape_cast %parallel_loop3A_314 : vector<16xf32> to vector<1x1x16xf32>
      tpu.vector_store %arg7[%parallel_loop3A_316, %parallel_loop3A_317, %parallel_loop3A_318], %parallel_loop3A_321 {add = true, strides = array<i32>} : memref<2x128x256xf32, #tpu.memory_space<vmem>>, vector<1x1x16xf32>,
      %parallel_loop3A_322 = arith.constant 64 : i32
      %parallel_loop3A_323 = arith.addi %parallel_loop3A_322, %parallel_loop3A_190 : i32
      %parallel_loop3A_324 = arith.constant 0 : i32
      %parallel_loop3A_325 = arith.index_cast %parallel_loop3A_324 : i32 to index
      %parallel_loop3A_326 = arith.index_cast %parallel_loop3A_323 : i32 to index
      %parallel_loop3A_327 = arith.constant 96 : index
      %parallel_loop3A_328 = tpu.vector_load %arg7[%parallel_loop3A_325, %parallel_loop3A_326, %parallel_loop3A_327] {strides = array<i32>} : memref<2x128x256xf32, #tpu.memory_space<vmem>>, vector<1x1x16xf32>,
      %parallel_loop3A_329 = vector.shape_cast %parallel_loop3A_328 : vector<1x1x16xf32> to vector<16xf32>
      %parallel_loop3A_330 = vector.shape_cast %parallel_loop3A_314 : vector<16xf32> to vector<1x1x16xf32>
      tpu.vector_store %arg7[%parallel_loop3A_325, %parallel_loop3A_326, %parallel_loop3A_327], %parallel_loop3A_330 {add = true, strides = array<i32>} : memref<2x128x256xf32, #tpu.memory_space<vmem>>, vector<1x1x16xf32>,
      %parallel_loop3A_331 = arith.index_cast %parallel_loop3A_190 : i32 to index
      %parallel_loop3A_332 = arith.constant 112 : index
      %parallel_loop3A_333 = tpu.vector_load %arg8[%parallel_loop3A_331, %parallel_loop3A_332] {strides = array<i32>} : memref<64x256xf32, #tpu.memory_space<vmem>>, vector<1x16xf32>,
      %parallel_loop3A_334 = vector.shape_cast %parallel_loop3A_333 : vector<1x16xf32> to vector<16xf32>
      %parallel_loop3A_335 = arith.constant 0 : i32
      %parallel_loop3A_336 = arith.index_cast %parallel_loop3A_335 : i32 to index
      %parallel_loop3A_337 = arith.index_cast %parallel_loop3A_190 : i32 to index
      %parallel_loop3A_338 = arith.constant 112 : index
      %parallel_loop3A_339 = tpu.vector_load %arg7[%parallel_loop3A_336, %parallel_loop3A_337, %parallel_loop3A_338] {strides = array<i32>} : memref<2x128x256xf32, #tpu.memory_space<vmem>>, vector<1x1x16xf32>,
      %parallel_loop3A_340 = vector.shape_cast %parallel_loop3A_339 : vector<1x1x16xf32> to vector<16xf32>
      %parallel_loop3A_341 = vector.shape_cast %parallel_loop3A_334 : vector<16xf32> to vector<1x1x16xf32>
      tpu.vector_store %arg7[%parallel_loop3A_336, %parallel_loop3A_337, %parallel_loop3A_338], %parallel_loop3A_341 {add = true, strides = array<i32>} : memref<2x128x256xf32, #tpu.memory_space<vmem>>, vector<1x1x16xf32>,
      %parallel_loop3A_342 = arith.constant 64 : i32
      %parallel_loop3A_343 = arith.addi %parallel_loop3A_342, %parallel_loop3A_190 : i32
      %parallel_loop3A_344 = arith.constant 0 : i32
      %parallel_loop3A_345 = arith.index_cast %parallel_loop3A_344 : i32 to index
      %parallel_loop3A_346 = arith.index_cast %parallel_loop3A_343 : i32 to index
      %parallel_loop3A_347 = arith.constant 112 : index
      %parallel_loop3A_348 = tpu.vector_load %arg7[%parallel_loop3A_345, %parallel_loop3A_346, %parallel_loop3A_347] {strides = array<i32>} : memref<2x128x256xf32, #tpu.memory_space<vmem>>, vector<1x1x16xf32>,
      %parallel_loop3A_349 = vector.shape_cast %parallel_loop3A_348 : vector<1x1x16xf32> to vector<16xf32>
      %parallel_loop3A_350 = vector.shape_cast %parallel_loop3A_334 : vector<16xf32> to vector<1x1x16xf32>
      tpu.vector_store %arg7[%parallel_loop3A_345, %parallel_loop3A_346, %parallel_loop3A_347], %parallel_loop3A_350 {add = true, strides = array<i32>} : memref<2x128x256xf32, #tpu.memory_space<vmem>>, vector<1x1x16xf32>,
      %parallel_loop3A_351 = arith.index_cast %parallel_loop3A_190 : i32 to index
      %parallel_loop3A_352 = arith.constant 128 : index
      %parallel_loop3A_353 = tpu.vector_load %arg8[%parallel_loop3A_351, %parallel_loop3A_352] {strides = array<i32>} : memref<64x256xf32, #tpu.memory_space<vmem>>, vector<1x16xf32>,
      %parallel_loop3A_354 = vector.shape_cast %parallel_loop3A_353 : vector<1x16xf32> to vector<16xf32>
      %parallel_loop3A_355 = arith.constant 0 : i32
      %parallel_loop3A_356 = arith.index_cast %parallel_loop3A_355 : i32 to index
      %parallel_loop3A_357 = arith.index_cast %parallel_loop3A_190 : i32 to index
      %parallel_loop3A_358 = arith.constant 128 : index
      %parallel_loop3A_359 = tpu.vector_load %arg7[%parallel_loop3A_356, %parallel_loop3A_357, %parallel_loop3A_358] {strides = array<i32>} : memref<2x128x256xf32, #tpu.memory_space<vmem>>, vector<1x1x16xf32>,
      %parallel_loop3A_360 = vector.shape_cast %parallel_loop3A_359 : vector<1x1x16xf32> to vector<16xf32>
      %parallel_loop3A_361 = vector.shape_cast %parallel_loop3A_354 : vector<16xf32> to vector<1x1x16xf32>
      tpu.vector_store %arg7[%parallel_loop3A_356, %parallel_loop3A_357, %parallel_loop3A_358], %parallel_loop3A_361 {add = true, strides = array<i32>} : memref<2x128x256xf32, #tpu.memory_space<vmem>>, vector<1x1x16xf32>,
      %parallel_loop3A_362 = arith.constant 64 : i32
      %parallel_loop3A_363 = arith.addi %parallel_loop3A_362, %parallel_loop3A_190 : i32
      %parallel_loop3A_364 = arith.constant 0 : i32
      %parallel_loop3A_365 = arith.index_cast %parallel_loop3A_364 : i32 to index
      %parallel_loop3A_366 = arith.index_cast %parallel_loop3A_363 : i32 to index
      %parallel_loop3A_367 = arith.constant 128 : index
      %parallel_loop3A_368 = tpu.vector_load %arg7[%parallel_loop3A_365, %parallel_loop3A_366, %parallel_loop3A_367] {strides = array<i32>} : memref<2x128x256xf32, #tpu.memory_space<vmem>>, vector<1x1x16xf32>,
      %parallel_loop3A_369 = vector.shape_cast %parallel_loop3A_368 : vector<1x1x16xf32> to vector<16xf32>
      %parallel_loop3A_370 = vector.shape_cast %parallel_loop3A_354 : vector<16xf32> to vector<1x1x16xf32>
      tpu.vector_store %arg7[%parallel_loop3A_365, %parallel_loop3A_366, %parallel_loop3A_367], %parallel_loop3A_370 {add = true, strides = array<i32>} : memref<2x128x256xf32, #tpu.memory_space<vmem>>, vector<1x1x16xf32>,
      %parallel_loop3A_371 = arith.index_cast %parallel_loop3A_190 : i32 to index
      %parallel_loop3A_372 = arith.constant 144 : index
      %parallel_loop3A_373 = tpu.vector_load %arg8[%parallel_loop3A_371, %parallel_loop3A_372] {strides = array<i32>} : memref<64x256xf32, #tpu.memory_space<vmem>>, vector<1x16xf32>,
      %parallel_loop3A_374 = vector.shape_cast %parallel_loop3A_373 : vector<1x16xf32> to vector<16xf32>
      %parallel_loop3A_375 = arith.constant 0 : i32
      %parallel_loop3A_376 = arith.index_cast %parallel_loop3A_375 : i32 to index
      %parallel_loop3A_377 = arith.index_cast %parallel_loop3A_190 : i32 to index
      %parallel_loop3A_378 = arith.constant 144 : index
      %parallel_loop3A_379 = tpu.vector_load %arg7[%parallel_loop3A_376, %parallel_loop3A_377, %parallel_loop3A_378] {strides = array<i32>} : memref<2x128x256xf32, #tpu.memory_space<vmem>>, vector<1x1x16xf32>,
      %parallel_loop3A_380 = vector.shape_cast %parallel_loop3A_379 : vector<1x1x16xf32> to vector<16xf32>
      %parallel_loop3A_381 = vector.shape_cast %parallel_loop3A_374 : vector<16xf32> to vector<1x1x16xf32>
      tpu.vector_store %arg7[%parallel_loop3A_376, %parallel_loop3A_377, %parallel_loop3A_378], %parallel_loop3A_381 {add = true, strides = array<i32>} : memref<2x128x256xf32, #tpu.memory_space<vmem>>, vector<1x1x16xf32>,
      %parallel_loop3A_382 = arith.constant 64 : i32
      %parallel_loop3A_383 = arith.addi %parallel_loop3A_382, %parallel_loop3A_190 : i32
      %parallel_loop3A_384 = arith.constant 0 : i32
      %parallel_loop3A_385 = arith.index_cast %parallel_loop3A_384 : i32 to index
      %parallel_loop3A_386 = arith.index_cast %parallel_loop3A_383 : i32 to index
      %parallel_loop3A_387 = arith.constant 144 : index
      %parallel_loop3A_388 = tpu.vector_load %arg7[%parallel_loop3A_385, %parallel_loop3A_386, %parallel_loop3A_387] {strides = array<i32>} : memref<2x128x256xf32, #tpu.memory_space<vmem>>, vector<1x1x16xf32>,
      %parallel_loop3A_389 = vector.shape_cast %parallel_loop3A_388 : vector<1x1x16xf32> to vector<16xf32>
      %parallel_loop3A_390 = vector.shape_cast %parallel_loop3A_374 : vector<16xf32> to vector<1x1x16xf32>
      tpu.vector_store %arg7[%parallel_loop3A_385, %parallel_loop3A_386, %parallel_loop3A_387], %parallel_loop3A_390 {add = true, strides = array<i32>} : memref<2x128x256xf32, #tpu.memory_space<vmem>>, vector<1x1x16xf32>,
      %parallel_loop3A_391 = arith.index_cast %parallel_loop3A_190 : i32 to index
      %parallel_loop3A_392 = arith.constant 160 : index
      %parallel_loop3A_393 = tpu.vector_load %arg8[%parallel_loop3A_391, %parallel_loop3A_392] {strides = array<i32>} : memref<64x256xf32, #tpu.memory_space<vmem>>, vector<1x16xf32>,
      %parallel_loop3A_394 = vector.shape_cast %parallel_loop3A_393 : vector<1x16xf32> to vector<16xf32>
      %parallel_loop3A_395 = arith.constant 0 : i32
      %parallel_loop3A_396 = arith.index_cast %parallel_loop3A_395 : i32 to index
      %parallel_loop3A_397 = arith.index_cast %parallel_loop3A_190 : i32 to index
      %parallel_loop3A_398 = arith.constant 160 : index
      %parallel_loop3A_399 = tpu.vector_load %arg7[%parallel_loop3A_396, %parallel_loop3A_397, %parallel_loop3A_398] {strides = array<i32>} : memref<2x128x256xf32, #tpu.memory_space<vmem>>, vector<1x1x16xf32>,
      %parallel_loop3A_400 = vector.shape_cast %parallel_loop3A_399 : vector<1x1x16xf32> to vector<16xf32>
      %parallel_loop3A_401 = vector.shape_cast %parallel_loop3A_394 : vector<16xf32> to vector<1x1x16xf32>
      tpu.vector_store %arg7[%parallel_loop3A_396, %parallel_loop3A_397, %parallel_loop3A_398], %parallel_loop3A_401 {add = true, strides = array<i32>} : memref<2x128x256xf32, #tpu.memory_space<vmem>>, vector<1x1x16xf32>,
      %parallel_loop3A_402 = arith.constant 64 : i32
      %parallel_loop3A_403 = arith.addi %parallel_loop3A_402, %parallel_loop3A_190 : i32
      %parallel_loop3A_404 = arith.constant 0 : i32
      %parallel_loop3A_405 = arith.index_cast %parallel_loop3A_404 : i32 to index
      %parallel_loop3A_406 = arith.index_cast %parallel_loop3A_403 : i32 to index
      %parallel_loop3A_407 = arith.constant 160 : index
      %parallel_loop3A_408 = tpu.vector_load %arg7[%parallel_loop3A_405, %parallel_loop3A_406, %parallel_loop3A_407] {strides = array<i32>} : memref<2x128x256xf32, #tpu.memory_space<vmem>>, vector<1x1x16xf32>,
      %parallel_loop3A_409 = vector.shape_cast %parallel_loop3A_408 : vector<1x1x16xf32> to vector<16xf32>
      %parallel_loop3A_410 = vector.shape_cast %parallel_loop3A_394 : vector<16xf32> to vector<1x1x16xf32>
      tpu.vector_store %arg7[%parallel_loop3A_405, %parallel_loop3A_406, %parallel_loop3A_407], %parallel_loop3A_410 {add = true, strides = array<i32>} : memref<2x128x256xf32, #tpu.memory_space<vmem>>, vector<1x1x16xf32>,
      %parallel_loop3A_411 = arith.index_cast %parallel_loop3A_190 : i32 to index
      %parallel_loop3A_412 = arith.constant 176 : index
      %parallel_loop3A_413 = tpu.vector_load %arg8[%parallel_loop3A_411, %parallel_loop3A_412] {strides = array<i32>} : memref<64x256xf32, #tpu.memory_space<vmem>>, vector<1x16xf32>,
      %parallel_loop3A_414 = vector.shape_cast %parallel_loop3A_413 : vector<1x16xf32> to vector<16xf32>
      %parallel_loop3A_415 = arith.constant 0 : i32
      %parallel_loop3A_416 = arith.index_cast %parallel_loop3A_415 : i32 to index
      %parallel_loop3A_417 = arith.index_cast %parallel_loop3A_190 : i32 to index
      %parallel_loop3A_418 = arith.constant 176 : index
      %parallel_loop3A_419 = tpu.vector_load %arg7[%parallel_loop3A_416, %parallel_loop3A_417, %parallel_loop3A_418] {strides = array<i32>} : memref<2x128x256xf32, #tpu.memory_space<vmem>>, vector<1x1x16xf32>,
      %parallel_loop3A_420 = vector.shape_cast %parallel_loop3A_419 : vector<1x1x16xf32> to vector<16xf32>
      %parallel_loop3A_421 = vector.shape_cast %parallel_loop3A_414 : vector<16xf32> to vector<1x1x16xf32>
      tpu.vector_store %arg7[%parallel_loop3A_416, %parallel_loop3A_417, %parallel_loop3A_418], %parallel_loop3A_421 {add = true, strides = array<i32>} : memref<2x128x256xf32, #tpu.memory_space<vmem>>, vector<1x1x16xf32>,
      %parallel_loop3A_422 = arith.constant 64 : i32
      %parallel_loop3A_423 = arith.addi %parallel_loop3A_422, %parallel_loop3A_190 : i32
      %parallel_loop3A_424 = arith.constant 0 : i32
      %parallel_loop3A_425 = arith.index_cast %parallel_loop3A_424 : i32 to index
      %parallel_loop3A_426 = arith.index_cast %parallel_loop3A_423 : i32 to index
      %parallel_loop3A_427 = arith.constant 176 : index
      %parallel_loop3A_428 = tpu.vector_load %arg7[%parallel_loop3A_425, %parallel_loop3A_426, %parallel_loop3A_427] {strides = array<i32>} : memref<2x128x256xf32, #tpu.memory_space<vmem>>, vector<1x1x16xf32>,
      %parallel_loop3A_429 = vector.shape_cast %parallel_loop3A_428 : vector<1x1x16xf32> to vector<16xf32>
      %parallel_loop3A_430 = vector.shape_cast %parallel_loop3A_414 : vector<16xf32> to vector<1x1x16xf32>
      tpu.vector_store %arg7[%parallel_loop3A_425, %parallel_loop3A_426, %parallel_loop3A_427], %parallel_loop3A_430 {add = true, strides = array<i32>} : memref<2x128x256xf32, #tpu.memory_space<vmem>>, vector<1x1x16xf32>,
      %parallel_loop3A_431 = arith.index_cast %parallel_loop3A_190 : i32 to index
      %parallel_loop3A_432 = arith.constant 192 : index
      %parallel_loop3A_433 = tpu.vector_load %arg8[%parallel_loop3A_431, %parallel_loop3A_432] {strides = array<i32>} : memref<64x256xf32, #tpu.memory_space<vmem>>, vector<1x16xf32>,
      %parallel_loop3A_434 = vector.shape_cast %parallel_loop3A_433 : vector<1x16xf32> to vector<16xf32>
      %parallel_loop3A_435 = arith.constant 0 : i32
      %parallel_loop3A_436 = arith.index_cast %parallel_loop3A_435 : i32 to index
      %parallel_loop3A_437 = arith.index_cast %parallel_loop3A_190 : i32 to index
      %parallel_loop3A_438 = arith.constant 192 : index
      %parallel_loop3A_439 = tpu.vector_load %arg7[%parallel_loop3A_436, %parallel_loop3A_437, %parallel_loop3A_438] {strides = array<i32>} : memref<2x128x256xf32, #tpu.memory_space<vmem>>, vector<1x1x16xf32>,
      %parallel_loop3A_440 = vector.shape_cast %parallel_loop3A_439 : vector<1x1x16xf32> to vector<16xf32>
      %parallel_loop3A_441 = vector.shape_cast %parallel_loop3A_434 : vector<16xf32> to vector<1x1x16xf32>
      tpu.vector_store %arg7[%parallel_loop3A_436, %parallel_loop3A_437, %parallel_loop3A_438], %parallel_loop3A_441 {add = true, strides = array<i32>} : memref<2x128x256xf32, #tpu.memory_space<vmem>>, vector<1x1x16xf32>,
      %parallel_loop3A_442 = arith.constant 64 : i32
      %parallel_loop3A_443 = arith.addi %parallel_loop3A_442, %parallel_loop3A_190 : i32
      %parallel_loop3A_444 = arith.constant 0 : i32
      %parallel_loop3A_445 = arith.index_cast %parallel_loop3A_444 : i32 to index
      %parallel_loop3A_446 = arith.index_cast %parallel_loop3A_443 : i32 to index
      %parallel_loop3A_447 = arith.constant 192 : index
      %parallel_loop3A_448 = tpu.vector_load %arg7[%parallel_loop3A_445, %parallel_loop3A_446, %parallel_loop3A_447] {strides = array<i32>} : memref<2x128x256xf32, #tpu.memory_space<vmem>>, vector<1x1x16xf32>,
      %parallel_loop3A_449 = vector.shape_cast %parallel_loop3A_448 : vector<1x1x16xf32> to vector<16xf32>
      %parallel_loop3A_450 = vector.shape_cast %parallel_loop3A_434 : vector<16xf32> to vector<1x1x16xf32>
      tpu.vector_store %arg7[%parallel_loop3A_445, %parallel_loop3A_446, %parallel_loop3A_447], %parallel_loop3A_450 {add = true, strides = array<i32>} : memref<2x128x256xf32, #tpu.memory_space<vmem>>, vector<1x1x16xf32>,
      %parallel_loop3A_451 = arith.index_cast %parallel_loop3A_190 : i32 to index
      %parallel_loop3A_452 = arith.constant 208 : index
      %parallel_loop3A_453 = tpu.vector_load %arg8[%parallel_loop3A_451, %parallel_loop3A_452] {strides = array<i32>} : memref<64x256xf32, #tpu.memory_space<vmem>>, vector<1x16xf32>,
      %parallel_loop3A_454 = vector.shape_cast %parallel_loop3A_453 : vector<1x16xf32> to vector<16xf32>
      %parallel_loop3A_455 = arith.constant 0 : i32
      %parallel_loop3A_456 = arith.index_cast %parallel_loop3A_455 : i32 to index
      %parallel_loop3A_457 = arith.index_cast %parallel_loop3A_190 : i32 to index
      %parallel_loop3A_458 = arith.constant 208 : index
      %parallel_loop3A_459 = tpu.vector_load %arg7[%parallel_loop3A_456, %parallel_loop3A_457, %parallel_loop3A_458] {strides = array<i32>} : memref<2x128x256xf32, #tpu.memory_space<vmem>>, vector<1x1x16xf32>,
      %parallel_loop3A_460 = vector.shape_cast %parallel_loop3A_459 : vector<1x1x16xf32> to vector<16xf32>
      %parallel_loop3A_461 = vector.shape_cast %parallel_loop3A_454 : vector<16xf32> to vector<1x1x16xf32>
      tpu.vector_store %arg7[%parallel_loop3A_456, %parallel_loop3A_457, %parallel_loop3A_458], %parallel_loop3A_461 {add = true, strides = array<i32>} : memref<2x128x256xf32, #tpu.memory_space<vmem>>, vector<1x1x16xf32>,
      %parallel_loop3A_462 = arith.constant 64 : i32
      %parallel_loop3A_463 = arith.addi %parallel_loop3A_462, %parallel_loop3A_190 : i32
      %parallel_loop3A_464 = arith.constant 0 : i32
      %parallel_loop3A_465 = arith.index_cast %parallel_loop3A_464 : i32 to index
      %parallel_loop3A_466 = arith.index_cast %parallel_loop3A_463 : i32 to index
      %parallel_loop3A_467 = arith.constant 208 : index
      %parallel_loop3A_468 = tpu.vector_load %arg7[%parallel_loop3A_465, %parallel_loop3A_466, %parallel_loop3A_467] {strides = array<i32>} : memref<2x128x256xf32, #tpu.memory_space<vmem>>, vector<1x1x16xf32>,
      %parallel_loop3A_469 = vector.shape_cast %parallel_loop3A_468 : vector<1x1x16xf32> to vector<16xf32>
      %parallel_loop3A_470 = vector.shape_cast %parallel_loop3A_454 : vector<16xf32> to vector<1x1x16xf32>
      tpu.vector_store %arg7[%parallel_loop3A_465, %parallel_loop3A_466, %parallel_loop3A_467], %parallel_loop3A_470 {add = true, strides = array<i32>} : memref<2x128x256xf32, #tpu.memory_space<vmem>>, vector<1x1x16xf32>,
      %parallel_loop3A_471 = arith.index_cast %parallel_loop3A_190 : i32 to index
      %parallel_loop3A_472 = arith.constant 224 : index
      %parallel_loop3A_473 = tpu.vector_load %arg8[%parallel_loop3A_471, %parallel_loop3A_472] {strides = array<i32>} : memref<64x256xf32, #tpu.memory_space<vmem>>, vector<1x16xf32>,
      %parallel_loop3A_474 = vector.shape_cast %parallel_loop3A_473 : vector<1x16xf32> to vector<16xf32>
      %parallel_loop3A_475 = arith.constant 0 : i32
      %parallel_loop3A_476 = arith.index_cast %parallel_loop3A_475 : i32 to index
      %parallel_loop3A_477 = arith.index_cast %parallel_loop3A_190 : i32 to index
      %parallel_loop3A_478 = arith.constant 224 : index
      %parallel_loop3A_479 = tpu.vector_load %arg7[%parallel_loop3A_476, %parallel_loop3A_477, %parallel_loop3A_478] {strides = array<i32>} : memref<2x128x256xf32, #tpu.memory_space<vmem>>, vector<1x1x16xf32>,
      %parallel_loop3A_480 = vector.shape_cast %parallel_loop3A_479 : vector<1x1x16xf32> to vector<16xf32>
      %parallel_loop3A_481 = vector.shape_cast %parallel_loop3A_474 : vector<16xf32> to vector<1x1x16xf32>
      tpu.vector_store %arg7[%parallel_loop3A_476, %parallel_loop3A_477, %parallel_loop3A_478], %parallel_loop3A_481 {add = true, strides = array<i32>} : memref<2x128x256xf32, #tpu.memory_space<vmem>>, vector<1x1x16xf32>,
      %parallel_loop3A_482 = arith.constant 64 : i32
      %parallel_loop3A_483 = arith.addi %parallel_loop3A_482, %parallel_loop3A_190 : i32
      %parallel_loop3A_484 = arith.constant 0 : i32
      %parallel_loop3A_485 = arith.index_cast %parallel_loop3A_484 : i32 to index
      %parallel_loop3A_486 = arith.index_cast %parallel_loop3A_483 : i32 to index
      %parallel_loop3A_487 = arith.constant 224 : index
      %parallel_loop3A_488 = tpu.vector_load %arg7[%parallel_loop3A_485, %parallel_loop3A_486, %parallel_loop3A_487] {strides = array<i32>} : memref<2x128x256xf32, #tpu.memory_space<vmem>>, vector<1x1x16xf32>,
      %parallel_loop3A_489 = vector.shape_cast %parallel_loop3A_488 : vector<1x1x16xf32> to vector<16xf32>
      %parallel_loop3A_490 = vector.shape_cast %parallel_loop3A_474 : vector<16xf32> to vector<1x1x16xf32>
      tpu.vector_store %arg7[%parallel_loop3A_485, %parallel_loop3A_486, %parallel_loop3A_487], %parallel_loop3A_490 {add = true, strides = array<i32>} : memref<2x128x256xf32, #tpu.memory_space<vmem>>, vector<1x1x16xf32>,
      %parallel_loop3A_491 = arith.index_cast %parallel_loop3A_190 : i32 to index
      %parallel_loop3A_492 = arith.constant 240 : index
      %parallel_loop3A_493 = tpu.vector_load %arg8[%parallel_loop3A_491, %parallel_loop3A_492] {strides = array<i32>} : memref<64x256xf32, #tpu.memory_space<vmem>>, vector<1x16xf32>,
      %parallel_loop3A_494 = vector.shape_cast %parallel_loop3A_493 : vector<1x16xf32> to vector<16xf32>
      %parallel_loop3A_495 = arith.constant 0 : i32
      %parallel_loop3A_496 = arith.index_cast %parallel_loop3A_495 : i32 to index
      %parallel_loop3A_497 = arith.index_cast %parallel_loop3A_190 : i32 to index
      %parallel_loop3A_498 = arith.constant 240 : index
      %parallel_loop3A_499 = tpu.vector_load %arg7[%parallel_loop3A_496, %parallel_loop3A_497, %parallel_loop3A_498] {strides = array<i32>} : memref<2x128x256xf32, #tpu.memory_space<vmem>>, vector<1x1x16xf32>,
      %parallel_loop3A_500 = vector.shape_cast %parallel_loop3A_499 : vector<1x1x16xf32> to vector<16xf32>
      %parallel_loop3A_501 = vector.shape_cast %parallel_loop3A_494 : vector<16xf32> to vector<1x1x16xf32>
      tpu.vector_store %arg7[%parallel_loop3A_496, %parallel_loop3A_497, %parallel_loop3A_498], %parallel_loop3A_501 {add = true, strides = array<i32>} : memref<2x128x256xf32, #tpu.memory_space<vmem>>, vector<1x1x16xf32>,
      %parallel_loop3A_502 = arith.constant 64 : i32
      %parallel_loop3A_503 = arith.addi %parallel_loop3A_502, %parallel_loop3A_190 : i32
      %parallel_loop3A_504 = arith.constant 0 : i32
      %parallel_loop3A_505 = arith.index_cast %parallel_loop3A_504 : i32 to index
      %parallel_loop3A_506 = arith.index_cast %parallel_loop3A_503 : i32 to index
      %parallel_loop3A_507 = arith.constant 240 : index
      %parallel_loop3A_508 = tpu.vector_load %arg7[%parallel_loop3A_505, %parallel_loop3A_506, %parallel_loop3A_507] {strides = array<i32>} : memref<2x128x256xf32, #tpu.memory_space<vmem>>, vector<1x1x16xf32>,
      %parallel_loop3A_509 = vector.shape_cast %parallel_loop3A_508 : vector<1x1x16xf32> to vector<16xf32>
      %parallel_loop3A_510 = vector.shape_cast %parallel_loop3A_494 : vector<16xf32> to vector<1x1x16xf32>
      tpu.vector_store %arg7[%parallel_loop3A_505, %parallel_loop3A_506, %parallel_loop3A_507], %parallel_loop3A_510 {add = true, strides = array<i32>} : memref<2x128x256xf32, #tpu.memory_space<vmem>>, vector<1x1x16xf32>,
    } {sc.loop_unroll_factor = 1 : i64, sc.parallel_access}
    %add3A_63 = arith.constant 0 : i32
    %add3A_64 = arith.addi %add3A_63, %mul3A_2 : i32
    %dma_start3A_65 = arith.constant 0 : i32
    %dma_start3A_66 = arith.constant 0 : i32
    %dma_start3A_67 = arith.constant 0 : i32
    %dma_start3A_68 = tpu.memref_slice %arg7[%dma_start3A_65, %dma_start3A_66, %dma_start3A_67] : memref<2x128x256xf32, #tpu.memory_space<vmem>> -> memref<1x64x256xf32, #tpu.memory_space<vmem>>
    %dma_start3A_69 = tpu.memref_squeeze %dma_start3A_68 : memref<1x64x256xf32, #tpu.memory_space<vmem>> -> memref<64x256xf32, #tpu.memory_space<vmem>>
    %dma_start3A_70 = arith.constant 0 : i32
    %dma_start3A_71 = tpu.memref_slice %arg5[%add3A_64, %dma_start3A_70] : memref<8192x256xf32, #tpu.memory_space<hbm>> -> memref<64x256xf32, #tpu.memory_space<hbm>>
    %dma_start3A_72 = arith.constant 0 : i32
    %dma_start3A_73 = tpu.memref_slice %arg5[%add3A_64, %dma_start3A_72] : memref<8192x256xf32, #tpu.memory_space<hbm>> -> memref<64x256xf32, #tpu.memory_space<hbm>>
    %dma_start3A_74 = arith.constant 0 : i32
    %dma_start3A_75 = arith.constant 0 : i32
    %dma_start3A_76 = tpu.memref_slice %arg7[%dma_start3A_65, %dma_start3A_74, %dma_start3A_75] : memref<2x128x256xf32, #tpu.memory_space<vmem>> -> memref<1x64x256xf32, #tpu.memory_space<vmem>>
    %dma_start3A_77 = tpu.memref_squeeze %dma_start3A_76 : memref<1x64x256xf32, #tpu.memory_space<vmem>> -> memref<64x256xf32, #tpu.memory_space<vmem>>
    tpu.enqueue_dma source(%dma_start3A_77 : memref<64x256xf32, #tpu.memory_space<vmem>>) target(%dma_start3A_73 : memref<64x256xf32, #tpu.memory_space<hbm>>) target_semaphore(%arg12 : memref<!tpu.dma_semaphore, #tpu.memory_space<semaphore_mem>>)
    %add3A_78 = arith.constant 2048 : i32
    %add3A_79 = arith.addi %add3A_78, %mul3A_2 : i32
    %dma_start3A_80 = arith.constant 0 : i32
    %dma_start3A_81 = arith.constant 64 : i32
    %dma_start3A_82 = arith.constant 0 : i32
    %dma_start3A_83 = tpu.memref_slice %arg7[%dma_start3A_80, %dma_start3A_81, %dma_start3A_82] : memref<2x128x256xf32, #tpu.memory_space<vmem>> -> memref<1x64x256xf32, #tpu.memory_space<vmem>>
    %dma_start3A_84 = tpu.memref_squeeze %dma_start3A_83 : memref<1x64x256xf32, #tpu.memory_space<vmem>> -> memref<64x256xf32, #tpu.memory_space<vmem>>
    %dma_start3A_85 = arith.constant 0 : i32
    %dma_start3A_86 = tpu.memref_slice %arg5[%add3A_79, %dma_start3A_85] : memref<8192x256xf32, #tpu.memory_space<hbm>> -> memref<64x256xf32, #tpu.memory_space<hbm>>
    %dma_start3A_87 = arith.constant 0 : i32
    %dma_start3A_88 = tpu.memref_slice %arg5[%add3A_79, %dma_start3A_87] : memref<8192x256xf32, #tpu.memory_space<hbm>> -> memref<64x256xf32, #tpu.memory_space<hbm>>
    %dma_start3A_89 = arith.constant 64 : i32
    %dma_start3A_90 = arith.constant 0 : i32
    %dma_start3A_91 = tpu.memref_slice %arg7[%dma_start3A_80, %dma_start3A_89, %dma_start3A_90] : memref<2x128x256xf32, #tpu.memory_space<vmem>> -> memref<1x64x256xf32, #tpu.memory_space<vmem>>
    %dma_start3A_92 = tpu.memref_squeeze %dma_start3A_91 : memref<1x64x256xf32, #tpu.memory_space<vmem>> -> memref<64x256xf32, #tpu.memory_space<vmem>>
    tpu.enqueue_dma source(%dma_start3A_92 : memref<64x256xf32, #tpu.memory_space<vmem>>) target(%dma_start3A_88 : memref<64x256xf32, #tpu.memory_space<hbm>>) target_semaphore(%arg12 : memref<!tpu.dma_semaphore, #tpu.memory_space<semaphore_mem>>)
    %dma_wait3A_93 = arith.constant 1 : i32
    %dma_wait3A_94 = arith.constant 1 : i32
    %dma_wait3A_95 = arith.constant 0 : i32
    %dma_wait3A_96 = arith.constant 0 : i32
    %dma_wait3A_97 = tpu.memref_slice %arg7[%dma_wait3A_94, %dma_wait3A_95, %dma_wait3A_96] : memref<2x128x256xf32, #tpu.memory_space<vmem>> -> memref<1x128x256xf32, #tpu.memory_space<vmem>>
    %dma_wait3A_98 = tpu.memref_squeeze %dma_wait3A_97 : memref<1x128x256xf32, #tpu.memory_space<vmem>> -> memref<128x256xf32, #tpu.memory_space<vmem>>
    %dma_wait3A_99 = arith.constant 0 : i32
    %dma_wait3A_100 = tpu.memref_slice %arg6[%dma_wait3A_93, %dma_wait3A_99] : memref<2x128xi32, #tpu.memory_space<vmem>> -> memref<1x128xi32, #tpu.memory_space<vmem>>
    %dma_wait3A_101 = tpu.memref_squeeze %dma_wait3A_100 : memref<1x128xi32, #tpu.memory_space<vmem>> -> memref<128xi32, #tpu.memory_space<vmem>>
    %dma_wait3A_102 = arith.constant 0 : i32
    %dma_wait3A_103 = arith.constant 0 : i32
    %dma_wait3A_104 = tpu.memref_slice %arg3[%dma_wait3A_102, %dma_wait3A_103] : memref<100000x256xf32, #tpu.memory_space<hbm>> -> memref<100000x256xf32, #tpu.memory_space<hbm>>
    tpu.wait_indirect_dma semaphore(%arg11 : memref<!tpu.dma_semaphore, #tpu.memory_space<semaphore_mem>>) src(%dma_wait3A_104 : memref<100000x256xf32, #tpu.memory_space<hbm>>) dst(%dma_wait3A_98 : memref<128x256xf32, #tpu.memory_space<vmem>>)
    %parallel_loop3A_105 = arith.constant 0 : i32
    %parallel_loop3A_106 = arith.constant 64 : i32
    %parallel_loop3A_107 = arith.constant 1 : i32
    scf.for %parallel_loop3A_190 = %parallel_loop3A_105 to %parallel_loop3A_106 step %parallel_loop3A_107  : i32 {
      %parallel_loop3A_191 = arith.index_cast %parallel_loop3A_190 : i32 to index
      %parallel_loop3A_192 = arith.constant 0 : index
      %parallel_loop3A_193 = tpu.vector_load %arg8[%parallel_loop3A_191, %parallel_loop3A_192] {strides = array<i32>} : memref<64x256xf32, #tpu.memory_space<vmem>>, vector<1x16xf32>,
      %parallel_loop3A_194 = vector.shape_cast %parallel_loop3A_193 : vector<1x16xf32> to vector<16xf32>
      %parallel_loop3A_195 = arith.constant 1 : i32
      %parallel_loop3A_196 = arith.index_cast %parallel_loop3A_195 : i32 to index
      %parallel_loop3A_197 = arith.index_cast %parallel_loop3A_190 : i32 to index
      %parallel_loop3A_198 = arith.constant 0 : index
      %parallel_loop3A_199 = tpu.vector_load %arg7[%parallel_loop3A_196, %parallel_loop3A_197, %parallel_loop3A_198] {strides = array<i32>} : memref<2x128x256xf32, #tpu.memory_space<vmem>>, vector<1x1x16xf32>,
      %parallel_loop3A_200 = vector.shape_cast %parallel_loop3A_199 : vector<1x1x16xf32> to vector<16xf32>
      %parallel_loop3A_201 = vector.shape_cast %parallel_loop3A_194 : vector<16xf32> to vector<1x1x16xf32>
      tpu.vector_store %arg7[%parallel_loop3A_196, %parallel_loop3A_197, %parallel_loop3A_198], %parallel_loop3A_201 {add = true, strides = array<i32>} : memref<2x128x256xf32, #tpu.memory_space<vmem>>, vector<1x1x16xf32>,
      %parallel_loop3A_202 = arith.constant 64 : i32
      %parallel_loop3A_203 = arith.addi %parallel_loop3A_202, %parallel_loop3A_190 : i32
      %parallel_loop3A_204 = arith.constant 1 : i32
      %parallel_loop3A_205 = arith.index_cast %parallel_loop3A_204 : i32 to index
      %parallel_loop3A_206 = arith.index_cast %parallel_loop3A_203 : i32 to index
      %parallel_loop3A_207 = arith.constant 0 : index
      %parallel_loop3A_208 = tpu.vector_load %arg7[%parallel_loop3A_205, %parallel_loop3A_206, %parallel_loop3A_207] {strides = array<i32>} : memref<2x128x256xf32, #tpu.memory_space<vmem>>, vector<1x1x16xf32>,
      %parallel_loop3A_209 = vector.shape_cast %parallel_loop3A_208 : vector<1x1x16xf32> to vector<16xf32>
      %parallel_loop3A_210 = vector.shape_cast %parallel_loop3A_194 : vector<16xf32> to vector<1x1x16xf32>
      tpu.vector_store %arg7[%parallel_loop3A_205, %parallel_loop3A_206, %parallel_loop3A_207], %parallel_loop3A_210 {add = true, strides = array<i32>} : memref<2x128x256xf32, #tpu.memory_space<vmem>>, vector<1x1x16xf32>,
      %parallel_loop3A_211 = arith.index_cast %parallel_loop3A_190 : i32 to index
      %parallel_loop3A_212 = arith.constant 16 : index
      %parallel_loop3A_213 = tpu.vector_load %arg8[%parallel_loop3A_211, %parallel_loop3A_212] {strides = array<i32>} : memref<64x256xf32, #tpu.memory_space<vmem>>, vector<1x16xf32>,
      %parallel_loop3A_214 = vector.shape_cast %parallel_loop3A_213 : vector<1x16xf32> to vector<16xf32>
      %parallel_loop3A_215 = arith.constant 1 : i32
      %parallel_loop3A_216 = arith.index_cast %parallel_loop3A_215 : i32 to index
      %parallel_loop3A_217 = arith.index_cast %parallel_loop3A_190 : i32 to index
      %parallel_loop3A_218 = arith.constant 16 : index
      %parallel_loop3A_219 = tpu.vector_load %arg7[%parallel_loop3A_216, %parallel_loop3A_217, %parallel_loop3A_218] {strides = array<i32>} : memref<2x128x256xf32, #tpu.memory_space<vmem>>, vector<1x1x16xf32>,
      %parallel_loop3A_220 = vector.shape_cast %parallel_loop3A_219 : vector<1x1x16xf32> to vector<16xf32>
      %parallel_loop3A_221 = vector.shape_cast %parallel_loop3A_214 : vector<16xf32> to vector<1x1x16xf32>
      tpu.vector_store %arg7[%parallel_loop3A_216, %parallel_loop3A_217, %parallel_loop3A_218], %parallel_loop3A_221 {add = true, strides = array<i32>} : memref<2x128x256xf32, #tpu.memory_space<vmem>>, vector<1x1x16xf32>,
      %parallel_loop3A_222 = arith.constant 64 : i32
      %parallel_loop3A_223 = arith.addi %parallel_loop3A_222, %parallel_loop3A_190 : i32
      %parallel_loop3A_224 = arith.constant 1 : i32
      %parallel_loop3A_225 = arith.index_cast %parallel_loop3A_224 : i32 to index
      %parallel_loop3A_226 = arith.index_cast %parallel_loop3A_223 : i32 to index
      %parallel_loop3A_227 = arith.constant 16 : index
      %parallel_loop3A_228 = tpu.vector_load %arg7[%parallel_loop3A_225, %parallel_loop3A_226, %parallel_loop3A_227] {strides = array<i32>} : memref<2x128x256xf32, #tpu.memory_space<vmem>>, vector<1x1x16xf32>,
      %parallel_loop3A_229 = vector.shape_cast %parallel_loop3A_228 : vector<1x1x16xf32> to vector<16xf32>
      %parallel_loop3A_230 = vector.shape_cast %parallel_loop3A_214 : vector<16xf32> to vector<1x1x16xf32>
      tpu.vector_store %arg7[%parallel_loop3A_225, %parallel_loop3A_226, %parallel_loop3A_227], %parallel_loop3A_230 {add = true, strides = array<i32>} : memref<2x128x256xf32, #tpu.memory_space<vmem>>, vector<1x1x16xf32>,
      %parallel_loop3A_231 = arith.index_cast %parallel_loop3A_190 : i32 to index
      %parallel_loop3A_232 = arith.constant 32 : index
      %parallel_loop3A_233 = tpu.vector_load %arg8[%parallel_loop3A_231, %parallel_loop3A_232] {strides = array<i32>} : memref<64x256xf32, #tpu.memory_space<vmem>>, vector<1x16xf32>,
      %parallel_loop3A_234 = vector.shape_cast %parallel_loop3A_233 : vector<1x16xf32> to vector<16xf32>
      %parallel_loop3A_235 = arith.constant 1 : i32
      %parallel_loop3A_236 = arith.index_cast %parallel_loop3A_235 : i32 to index
      %parallel_loop3A_237 = arith.index_cast %parallel_loop3A_190 : i32 to index
      %parallel_loop3A_238 = arith.constant 32 : index
      %parallel_loop3A_239 = tpu.vector_load %arg7[%parallel_loop3A_236, %parallel_loop3A_237, %parallel_loop3A_238] {strides = array<i32>} : memref<2x128x256xf32, #tpu.memory_space<vmem>>, vector<1x1x16xf32>,
      %parallel_loop3A_240 = vector.shape_cast %parallel_loop3A_239 : vector<1x1x16xf32> to vector<16xf32>
      %parallel_loop3A_241 = vector.shape_cast %parallel_loop3A_234 : vector<16xf32> to vector<1x1x16xf32>
      tpu.vector_store %arg7[%parallel_loop3A_236, %parallel_loop3A_237, %parallel_loop3A_238], %parallel_loop3A_241 {add = true, strides = array<i32>} : memref<2x128x256xf32, #tpu.memory_space<vmem>>, vector<1x1x16xf32>,
      %parallel_loop3A_242 = arith.constant 64 : i32
      %parallel_loop3A_243 = arith.addi %parallel_loop3A_242, %parallel_loop3A_190 : i32
      %parallel_loop3A_244 = arith.constant 1 : i32
      %parallel_loop3A_245 = arith.index_cast %parallel_loop3A_244 : i32 to index
      %parallel_loop3A_246 = arith.index_cast %parallel_loop3A_243 : i32 to index
      %parallel_loop3A_247 = arith.constant 32 : index
      %parallel_loop3A_248 = tpu.vector_load %arg7[%parallel_loop3A_245, %parallel_loop3A_246, %parallel_loop3A_247] {strides = array<i32>} : memref<2x128x256xf32, #tpu.memory_space<vmem>>, vector<1x1x16xf32>,
      %parallel_loop3A_249 = vector.shape_cast %parallel_loop3A_248 : vector<1x1x16xf32> to vector<16xf32>
      %parallel_loop3A_250 = vector.shape_cast %parallel_loop3A_234 : vector<16xf32> to vector<1x1x16xf32>
      tpu.vector_store %arg7[%parallel_loop3A_245, %parallel_loop3A_246, %parallel_loop3A_247], %parallel_loop3A_250 {add = true, strides = array<i32>} : memref<2x128x256xf32, #tpu.memory_space<vmem>>, vector<1x1x16xf32>,
      %parallel_loop3A_251 = arith.index_cast %parallel_loop3A_190 : i32 to index
      %parallel_loop3A_252 = arith.constant 48 : index
      %parallel_loop3A_253 = tpu.vector_load %arg8[%parallel_loop3A_251, %parallel_loop3A_252] {strides = array<i32>} : memref<64x256xf32, #tpu.memory_space<vmem>>, vector<1x16xf32>,
      %parallel_loop3A_254 = vector.shape_cast %parallel_loop3A_253 : vector<1x16xf32> to vector<16xf32>
      %parallel_loop3A_255 = arith.constant 1 : i32
      %parallel_loop3A_256 = arith.index_cast %parallel_loop3A_255 : i32 to index
      %parallel_loop3A_257 = arith.index_cast %parallel_loop3A_190 : i32 to index
      %parallel_loop3A_258 = arith.constant 48 : index
      %parallel_loop3A_259 = tpu.vector_load %arg7[%parallel_loop3A_256, %parallel_loop3A_257, %parallel_loop3A_258] {strides = array<i32>} : memref<2x128x256xf32, #tpu.memory_space<vmem>>, vector<1x1x16xf32>,
      %parallel_loop3A_260 = vector.shape_cast %parallel_loop3A_259 : vector<1x1x16xf32> to vector<16xf32>
      %parallel_loop3A_261 = vector.shape_cast %parallel_loop3A_254 : vector<16xf32> to vector<1x1x16xf32>
      tpu.vector_store %arg7[%parallel_loop3A_256, %parallel_loop3A_257, %parallel_loop3A_258], %parallel_loop3A_261 {add = true, strides = array<i32>} : memref<2x128x256xf32, #tpu.memory_space<vmem>>, vector<1x1x16xf32>,
      %parallel_loop3A_262 = arith.constant 64 : i32
      %parallel_loop3A_263 = arith.addi %parallel_loop3A_262, %parallel_loop3A_190 : i32
      %parallel_loop3A_264 = arith.constant 1 : i32
      %parallel_loop3A_265 = arith.index_cast %parallel_loop3A_264 : i32 to index
      %parallel_loop3A_266 = arith.index_cast %parallel_loop3A_263 : i32 to index
      %parallel_loop3A_267 = arith.constant 48 : index
      %parallel_loop3A_268 = tpu.vector_load %arg7[%parallel_loop3A_265, %parallel_loop3A_266, %parallel_loop3A_267] {strides = array<i32>} : memref<2x128x256xf32, #tpu.memory_space<vmem>>, vector<1x1x16xf32>,
      %parallel_loop3A_269 = vector.shape_cast %parallel_loop3A_268 : vector<1x1x16xf32> to vector<16xf32>
      %parallel_loop3A_270 = vector.shape_cast %parallel_loop3A_254 : vector<16xf32> to vector<1x1x16xf32>
      tpu.vector_store %arg7[%parallel_loop3A_265, %parallel_loop3A_266, %parallel_loop3A_267], %parallel_loop3A_270 {add = true, strides = array<i32>} : memref<2x128x256xf32, #tpu.memory_space<vmem>>, vector<1x1x16xf32>,
      %parallel_loop3A_271 = arith.index_cast %parallel_loop3A_190 : i32 to index
      %parallel_loop3A_272 = arith.constant 64 : index
      %parallel_loop3A_273 = tpu.vector_load %arg8[%parallel_loop3A_271, %parallel_loop3A_272] {strides = array<i32>} : memref<64x256xf32, #tpu.memory_space<vmem>>, vector<1x16xf32>,
      %parallel_loop3A_274 = vector.shape_cast %parallel_loop3A_273 : vector<1x16xf32> to vector<16xf32>
      %parallel_loop3A_275 = arith.constant 1 : i32
      %parallel_loop3A_276 = arith.index_cast %parallel_loop3A_275 : i32 to index
      %parallel_loop3A_277 = arith.index_cast %parallel_loop3A_190 : i32 to index
      %parallel_loop3A_278 = arith.constant 64 : index
      %parallel_loop3A_279 = tpu.vector_load %arg7[%parallel_loop3A_276, %parallel_loop3A_277, %parallel_loop3A_278] {strides = array<i32>} : memref<2x128x256xf32, #tpu.memory_space<vmem>>, vector<1x1x16xf32>,
      %parallel_loop3A_280 = vector.shape_cast %parallel_loop3A_279 : vector<1x1x16xf32> to vector<16xf32>
      %parallel_loop3A_281 = vector.shape_cast %parallel_loop3A_274 : vector<16xf32> to vector<1x1x16xf32>
      tpu.vector_store %arg7[%parallel_loop3A_276, %parallel_loop3A_277, %parallel_loop3A_278], %parallel_loop3A_281 {add = true, strides = array<i32>} : memref<2x128x256xf32, #tpu.memory_space<vmem>>, vector<1x1x16xf32>,
      %parallel_loop3A_282 = arith.constant 64 : i32
      %parallel_loop3A_283 = arith.addi %parallel_loop3A_282, %parallel_loop3A_190 : i32
      %parallel_loop3A_284 = arith.constant 1 : i32
      %parallel_loop3A_285 = arith.index_cast %parallel_loop3A_284 : i32 to index
      %parallel_loop3A_286 = arith.index_cast %parallel_loop3A_283 : i32 to index
      %parallel_loop3A_287 = arith.constant 64 : index
      %parallel_loop3A_288 = tpu.vector_load %arg7[%parallel_loop3A_285, %parallel_loop3A_286, %parallel_loop3A_287] {strides = array<i32>} : memref<2x128x256xf32, #tpu.memory_space<vmem>>, vector<1x1x16xf32>,
      %parallel_loop3A_289 = vector.shape_cast %parallel_loop3A_288 : vector<1x1x16xf32> to vector<16xf32>
      %parallel_loop3A_290 = vector.shape_cast %parallel_loop3A_274 : vector<16xf32> to vector<1x1x16xf32>
      tpu.vector_store %arg7[%parallel_loop3A_285, %parallel_loop3A_286, %parallel_loop3A_287], %parallel_loop3A_290 {add = true, strides = array<i32>} : memref<2x128x256xf32, #tpu.memory_space<vmem>>, vector<1x1x16xf32>,
      %parallel_loop3A_291 = arith.index_cast %parallel_loop3A_190 : i32 to index
      %parallel_loop3A_292 = arith.constant 80 : index
      %parallel_loop3A_293 = tpu.vector_load %arg8[%parallel_loop3A_291, %parallel_loop3A_292] {strides = array<i32>} : memref<64x256xf32, #tpu.memory_space<vmem>>, vector<1x16xf32>,
      %parallel_loop3A_294 = vector.shape_cast %parallel_loop3A_293 : vector<1x16xf32> to vector<16xf32>
      %parallel_loop3A_295 = arith.constant 1 : i32
      %parallel_loop3A_296 = arith.index_cast %parallel_loop3A_295 : i32 to index
      %parallel_loop3A_297 = arith.index_cast %parallel_loop3A_190 : i32 to index
      %parallel_loop3A_298 = arith.constant 80 : index
      %parallel_loop3A_299 = tpu.vector_load %arg7[%parallel_loop3A_296, %parallel_loop3A_297, %parallel_loop3A_298] {strides = array<i32>} : memref<2x128x256xf32, #tpu.memory_space<vmem>>, vector<1x1x16xf32>,
      %parallel_loop3A_300 = vector.shape_cast %parallel_loop3A_299 : vector<1x1x16xf32> to vector<16xf32>
      %parallel_loop3A_301 = vector.shape_cast %parallel_loop3A_294 : vector<16xf32> to vector<1x1x16xf32>
      tpu.vector_store %arg7[%parallel_loop3A_296, %parallel_loop3A_297, %parallel_loop3A_298], %parallel_loop3A_301 {add = true, strides = array<i32>} : memref<2x128x256xf32, #tpu.memory_space<vmem>>, vector<1x1x16xf32>,
      %parallel_loop3A_302 = arith.constant 64 : i32
      %parallel_loop3A_303 = arith.addi %parallel_loop3A_302, %parallel_loop3A_190 : i32
      %parallel_loop3A_304 = arith.constant 1 : i32
      %parallel_loop3A_305 = arith.index_cast %parallel_loop3A_304 : i32 to index
      %parallel_loop3A_306 = arith.index_cast %parallel_loop3A_303 : i32 to index
      %parallel_loop3A_307 = arith.constant 80 : index
      %parallel_loop3A_308 = tpu.vector_load %arg7[%parallel_loop3A_305, %parallel_loop3A_306, %parallel_loop3A_307] {strides = array<i32>} : memref<2x128x256xf32, #tpu.memory_space<vmem>>, vector<1x1x16xf32>,
      %parallel_loop3A_309 = vector.shape_cast %parallel_loop3A_308 : vector<1x1x16xf32> to vector<16xf32>
      %parallel_loop3A_310 = vector.shape_cast %parallel_loop3A_294 : vector<16xf32> to vector<1x1x16xf32>
      tpu.vector_store %arg7[%parallel_loop3A_305, %parallel_loop3A_306, %parallel_loop3A_307], %parallel_loop3A_310 {add = true, strides = array<i32>} : memref<2x128x256xf32, #tpu.memory_space<vmem>>, vector<1x1x16xf32>,
      %parallel_loop3A_311 = arith.index_cast %parallel_loop3A_190 : i32 to index
      %parallel_loop3A_312 = arith.constant 96 : index
      %parallel_loop3A_313 = tpu.vector_load %arg8[%parallel_loop3A_311, %parallel_loop3A_312] {strides = array<i32>} : memref<64x256xf32, #tpu.memory_space<vmem>>, vector<1x16xf32>,
      %parallel_loop3A_314 = vector.shape_cast %parallel_loop3A_313 : vector<1x16xf32> to vector<16xf32>
      %parallel_loop3A_315 = arith.constant 1 : i32
      %parallel_loop3A_316 = arith.index_cast %parallel_loop3A_315 : i32 to index
      %parallel_loop3A_317 = arith.index_cast %parallel_loop3A_190 : i32 to index
      %parallel_loop3A_318 = arith.constant 96 : index
      %parallel_loop3A_319 = tpu.vector_load %arg7[%parallel_loop3A_316, %parallel_loop3A_317, %parallel_loop3A_318] {strides = array<i32>} : memref<2x128x256xf32, #tpu.memory_space<vmem>>, vector<1x1x16xf32>,
      %parallel_loop3A_320 = vector.shape_cast %parallel_loop3A_319 : vector<1x1x16xf32> to vector<16xf32>
      %parallel_loop3A_321 = vector.shape_cast %parallel_loop3A_314 : vector<16xf32> to vector<1x1x16xf32>
      tpu.vector_store %arg7[%parallel_loop3A_316, %parallel_loop3A_317, %parallel_loop3A_318], %parallel_loop3A_321 {add = true, strides = array<i32>} : memref<2x128x256xf32, #tpu.memory_space<vmem>>, vector<1x1x16xf32>,
      %parallel_loop3A_322 = arith.constant 64 : i32
      %parallel_loop3A_323 = arith.addi %parallel_loop3A_322, %parallel_loop3A_190 : i32
      %parallel_loop3A_324 = arith.constant 1 : i32
      %parallel_loop3A_325 = arith.index_cast %parallel_loop3A_324 : i32 to index
      %parallel_loop3A_326 = arith.index_cast %parallel_loop3A_323 : i32 to index
      %parallel_loop3A_327 = arith.constant 96 : index
      %parallel_loop3A_328 = tpu.vector_load %arg7[%parallel_loop3A_325, %parallel_loop3A_326, %parallel_loop3A_327] {strides = array<i32>} : memref<2x128x256xf32, #tpu.memory_space<vmem>>, vector<1x1x16xf32>,
      %parallel_loop3A_329 = vector.shape_cast %parallel_loop3A_328 : vector<1x1x16xf32> to vector<16xf32>
      %parallel_loop3A_330 = vector.shape_cast %parallel_loop3A_314 : vector<16xf32> to vector<1x1x16xf32>
      tpu.vector_store %arg7[%parallel_loop3A_325, %parallel_loop3A_326, %parallel_loop3A_327], %parallel_loop3A_330 {add = true, strides = array<i32>} : memref<2x128x256xf32, #tpu.memory_space<vmem>>, vector<1x1x16xf32>,
      %parallel_loop3A_331 = arith.index_cast %parallel_loop3A_190 : i32 to index
      %parallel_loop3A_332 = arith.constant 112 : index
      %parallel_loop3A_333 = tpu.vector_load %arg8[%parallel_loop3A_331, %parallel_loop3A_332] {strides = array<i32>} : memref<64x256xf32, #tpu.memory_space<vmem>>, vector<1x16xf32>,
      %parallel_loop3A_334 = vector.shape_cast %parallel_loop3A_333 : vector<1x16xf32> to vector<16xf32>
      %parallel_loop3A_335 = arith.constant 1 : i32
      %parallel_loop3A_336 = arith.index_cast %parallel_loop3A_335 : i32 to index
      %parallel_loop3A_337 = arith.index_cast %parallel_loop3A_190 : i32 to index
      %parallel_loop3A_338 = arith.constant 112 : index
      %parallel_loop3A_339 = tpu.vector_load %arg7[%parallel_loop3A_336, %parallel_loop3A_337, %parallel_loop3A_338] {strides = array<i32>} : memref<2x128x256xf32, #tpu.memory_space<vmem>>, vector<1x1x16xf32>,
      %parallel_loop3A_340 = vector.shape_cast %parallel_loop3A_339 : vector<1x1x16xf32> to vector<16xf32>
      %parallel_loop3A_341 = vector.shape_cast %parallel_loop3A_334 : vector<16xf32> to vector<1x1x16xf32>
      tpu.vector_store %arg7[%parallel_loop3A_336, %parallel_loop3A_337, %parallel_loop3A_338], %parallel_loop3A_341 {add = true, strides = array<i32>} : memref<2x128x256xf32, #tpu.memory_space<vmem>>, vector<1x1x16xf32>,
      %parallel_loop3A_342 = arith.constant 64 : i32
      %parallel_loop3A_343 = arith.addi %parallel_loop3A_342, %parallel_loop3A_190 : i32
      %parallel_loop3A_344 = arith.constant 1 : i32
      %parallel_loop3A_345 = arith.index_cast %parallel_loop3A_344 : i32 to index
      %parallel_loop3A_346 = arith.index_cast %parallel_loop3A_343 : i32 to index
      %parallel_loop3A_347 = arith.constant 112 : index
      %parallel_loop3A_348 = tpu.vector_load %arg7[%parallel_loop3A_345, %parallel_loop3A_346, %parallel_loop3A_347] {strides = array<i32>} : memref<2x128x256xf32, #tpu.memory_space<vmem>>, vector<1x1x16xf32>,
      %parallel_loop3A_349 = vector.shape_cast %parallel_loop3A_348 : vector<1x1x16xf32> to vector<16xf32>
      %parallel_loop3A_350 = vector.shape_cast %parallel_loop3A_334 : vector<16xf32> to vector<1x1x16xf32>
      tpu.vector_store %arg7[%parallel_loop3A_345, %parallel_loop3A_346, %parallel_loop3A_347], %parallel_loop3A_350 {add = true, strides = array<i32>} : memref<2x128x256xf32, #tpu.memory_space<vmem>>, vector<1x1x16xf32>,
      %parallel_loop3A_351 = arith.index_cast %parallel_loop3A_190 : i32 to index
      %parallel_loop3A_352 = arith.constant 128 : index
      %parallel_loop3A_353 = tpu.vector_load %arg8[%parallel_loop3A_351, %parallel_loop3A_352] {strides = array<i32>} : memref<64x256xf32, #tpu.memory_space<vmem>>, vector<1x16xf32>,
      %parallel_loop3A_354 = vector.shape_cast %parallel_loop3A_353 : vector<1x16xf32> to vector<16xf32>
      %parallel_loop3A_355 = arith.constant 1 : i32
      %parallel_loop3A_356 = arith.index_cast %parallel_loop3A_355 : i32 to index
      %parallel_loop3A_357 = arith.index_cast %parallel_loop3A_190 : i32 to index
      %parallel_loop3A_358 = arith.constant 128 : index
      %parallel_loop3A_359 = tpu.vector_load %arg7[%parallel_loop3A_356, %parallel_loop3A_357, %parallel_loop3A_358] {strides = array<i32>} : memref<2x128x256xf32, #tpu.memory_space<vmem>>, vector<1x1x16xf32>,
      %parallel_loop3A_360 = vector.shape_cast %parallel_loop3A_359 : vector<1x1x16xf32> to vector<16xf32>
      %parallel_loop3A_361 = vector.shape_cast %parallel_loop3A_354 : vector<16xf32> to vector<1x1x16xf32>
      tpu.vector_store %arg7[%parallel_loop3A_356, %parallel_loop3A_357, %parallel_loop3A_358], %parallel_loop3A_361 {add = true, strides = array<i32>} : memref<2x128x256xf32, #tpu.memory_space<vmem>>, vector<1x1x16xf32>,
      %parallel_loop3A_362 = arith.constant 64 : i32
      %parallel_loop3A_363 = arith.addi %parallel_loop3A_362, %parallel_loop3A_190 : i32
      %parallel_loop3A_364 = arith.constant 1 : i32
      %parallel_loop3A_365 = arith.index_cast %parallel_loop3A_364 : i32 to index
      %parallel_loop3A_366 = arith.index_cast %parallel_loop3A_363 : i32 to index
      %parallel_loop3A_367 = arith.constant 128 : index
      %parallel_loop3A_368 = tpu.vector_load %arg7[%parallel_loop3A_365, %parallel_loop3A_366, %parallel_loop3A_367] {strides = array<i32>} : memref<2x128x256xf32, #tpu.memory_space<vmem>>, vector<1x1x16xf32>,
      %parallel_loop3A_369 = vector.shape_cast %parallel_loop3A_368 : vector<1x1x16xf32> to vector<16xf32>
      %parallel_loop3A_370 = vector.shape_cast %parallel_loop3A_354 : vector<16xf32> to vector<1x1x16xf32>
      tpu.vector_store %arg7[%parallel_loop3A_365, %parallel_loop3A_366, %parallel_loop3A_367], %parallel_loop3A_370 {add = true, strides = array<i32>} : memref<2x128x256xf32, #tpu.memory_space<vmem>>, vector<1x1x16xf32>,
      %parallel_loop3A_371 = arith.index_cast %parallel_loop3A_190 : i32 to index
      %parallel_loop3A_372 = arith.constant 144 : index
      %parallel_loop3A_373 = tpu.vector_load %arg8[%parallel_loop3A_371, %parallel_loop3A_372] {strides = array<i32>} : memref<64x256xf32, #tpu.memory_space<vmem>>, vector<1x16xf32>,
      %parallel_loop3A_374 = vector.shape_cast %parallel_loop3A_373 : vector<1x16xf32> to vector<16xf32>
      %parallel_loop3A_375 = arith.constant 1 : i32
      %parallel_loop3A_376 = arith.index_cast %parallel_loop3A_375 : i32 to index
      %parallel_loop3A_377 = arith.index_cast %parallel_loop3A_190 : i32 to index
      %parallel_loop3A_378 = arith.constant 144 : index
      %parallel_loop3A_379 = tpu.vector_load %arg7[%parallel_loop3A_376, %parallel_loop3A_377, %parallel_loop3A_378] {strides = array<i32>} : memref<2x128x256xf32, #tpu.memory_space<vmem>>, vector<1x1x16xf32>,
      %parallel_loop3A_380 = vector.shape_cast %parallel_loop3A_379 : vector<1x1x16xf32> to vector<16xf32>
      %parallel_loop3A_381 = vector.shape_cast %parallel_loop3A_374 : vector<16xf32> to vector<1x1x16xf32>
      tpu.vector_store %arg7[%parallel_loop3A_376, %parallel_loop3A_377, %parallel_loop3A_378], %parallel_loop3A_381 {add = true, strides = array<i32>} : memref<2x128x256xf32, #tpu.memory_space<vmem>>, vector<1x1x16xf32>,
      %parallel_loop3A_382 = arith.constant 64 : i32
      %parallel_loop3A_383 = arith.addi %parallel_loop3A_382, %parallel_loop3A_190 : i32
      %parallel_loop3A_384 = arith.constant 1 : i32
      %parallel_loop3A_385 = arith.index_cast %parallel_loop3A_384 : i32 to index
      %parallel_loop3A_386 = arith.index_cast %parallel_loop3A_383 : i32 to index
      %parallel_loop3A_387 = arith.constant 144 : index
      %parallel_loop3A_388 = tpu.vector_load %arg7[%parallel_loop3A_385, %parallel_loop3A_386, %parallel_loop3A_387] {strides = array<i32>} : memref<2x128x256xf32, #tpu.memory_space<vmem>>, vector<1x1x16xf32>,
      %parallel_loop3A_389 = vector.shape_cast %parallel_loop3A_388 : vector<1x1x16xf32> to vector<16xf32>
      %parallel_loop3A_390 = vector.shape_cast %parallel_loop3A_374 : vector<16xf32> to vector<1x1x16xf32>
      tpu.vector_store %arg7[%parallel_loop3A_385, %parallel_loop3A_386, %parallel_loop3A_387], %parallel_loop3A_390 {add = true, strides = array<i32>} : memref<2x128x256xf32, #tpu.memory_space<vmem>>, vector<1x1x16xf32>,
      %parallel_loop3A_391 = arith.index_cast %parallel_loop3A_190 : i32 to index
      %parallel_loop3A_392 = arith.constant 160 : index
      %parallel_loop3A_393 = tpu.vector_load %arg8[%parallel_loop3A_391, %parallel_loop3A_392] {strides = array<i32>} : memref<64x256xf32, #tpu.memory_space<vmem>>, vector<1x16xf32>,
      %parallel_loop3A_394 = vector.shape_cast %parallel_loop3A_393 : vector<1x16xf32> to vector<16xf32>
      %parallel_loop3A_395 = arith.constant 1 : i32
      %parallel_loop3A_396 = arith.index_cast %parallel_loop3A_395 : i32 to index
      %parallel_loop3A_397 = arith.index_cast %parallel_loop3A_190 : i32 to index
      %parallel_loop3A_398 = arith.constant 160 : index
      %parallel_loop3A_399 = tpu.vector_load %arg7[%parallel_loop3A_396, %parallel_loop3A_397, %parallel_loop3A_398] {strides = array<i32>} : memref<2x128x256xf32, #tpu.memory_space<vmem>>, vector<1x1x16xf32>,
      %parallel_loop3A_400 = vector.shape_cast %parallel_loop3A_399 : vector<1x1x16xf32> to vector<16xf32>
      %parallel_loop3A_401 = vector.shape_cast %parallel_loop3A_394 : vector<16xf32> to vector<1x1x16xf32>
      tpu.vector_store %arg7[%parallel_loop3A_396, %parallel_loop3A_397, %parallel_loop3A_398], %parallel_loop3A_401 {add = true, strides = array<i32>} : memref<2x128x256xf32, #tpu.memory_space<vmem>>, vector<1x1x16xf32>,
      %parallel_loop3A_402 = arith.constant 64 : i32
      %parallel_loop3A_403 = arith.addi %parallel_loop3A_402, %parallel_loop3A_190 : i32
      %parallel_loop3A_404 = arith.constant 1 : i32
      %parallel_loop3A_405 = arith.index_cast %parallel_loop3A_404 : i32 to index
      %parallel_loop3A_406 = arith.index_cast %parallel_loop3A_403 : i32 to index
      %parallel_loop3A_407 = arith.constant 160 : index
      %parallel_loop3A_408 = tpu.vector_load %arg7[%parallel_loop3A_405, %parallel_loop3A_406, %parallel_loop3A_407] {strides = array<i32>} : memref<2x128x256xf32, #tpu.memory_space<vmem>>, vector<1x1x16xf32>,
      %parallel_loop3A_409 = vector.shape_cast %parallel_loop3A_408 : vector<1x1x16xf32> to vector<16xf32>
      %parallel_loop3A_410 = vector.shape_cast %parallel_loop3A_394 : vector<16xf32> to vector<1x1x16xf32>
      tpu.vector_store %arg7[%parallel_loop3A_405, %parallel_loop3A_406, %parallel_loop3A_407], %parallel_loop3A_410 {add = true, strides = array<i32>} : memref<2x128x256xf32, #tpu.memory_space<vmem>>, vector<1x1x16xf32>,
      %parallel_loop3A_411 = arith.index_cast %parallel_loop3A_190 : i32 to index
      %parallel_loop3A_412 = arith.constant 176 : index
      %parallel_loop3A_413 = tpu.vector_load %arg8[%parallel_loop3A_411, %parallel_loop3A_412] {strides = array<i32>} : memref<64x256xf32, #tpu.memory_space<vmem>>, vector<1x16xf32>,
      %parallel_loop3A_414 = vector.shape_cast %parallel_loop3A_413 : vector<1x16xf32> to vector<16xf32>
      %parallel_loop3A_415 = arith.constant 1 : i32
      %parallel_loop3A_416 = arith.index_cast %parallel_loop3A_415 : i32 to index
      %parallel_loop3A_417 = arith.index_cast %parallel_loop3A_190 : i32 to index
      %parallel_loop3A_418 = arith.constant 176 : index
      %parallel_loop3A_419 = tpu.vector_load %arg7[%parallel_loop3A_416, %parallel_loop3A_417, %parallel_loop3A_418] {strides = array<i32>} : memref<2x128x256xf32, #tpu.memory_space<vmem>>, vector<1x1x16xf32>,
      %parallel_loop3A_420 = vector.shape_cast %parallel_loop3A_419 : vector<1x1x16xf32> to vector<16xf32>
      %parallel_loop3A_421 = vector.shape_cast %parallel_loop3A_414 : vector<16xf32> to vector<1x1x16xf32>
      tpu.vector_store %arg7[%parallel_loop3A_416, %parallel_loop3A_417, %parallel_loop3A_418], %parallel_loop3A_421 {add = true, strides = array<i32>} : memref<2x128x256xf32, #tpu.memory_space<vmem>>, vector<1x1x16xf32>,
      %parallel_loop3A_422 = arith.constant 64 : i32
      %parallel_loop3A_423 = arith.addi %parallel_loop3A_422, %parallel_loop3A_190 : i32
      %parallel_loop3A_424 = arith.constant 1 : i32
      %parallel_loop3A_425 = arith.index_cast %parallel_loop3A_424 : i32 to index
      %parallel_loop3A_426 = arith.index_cast %parallel_loop3A_423 : i32 to index
      %parallel_loop3A_427 = arith.constant 176 : index
      %parallel_loop3A_428 = tpu.vector_load %arg7[%parallel_loop3A_425, %parallel_loop3A_426, %parallel_loop3A_427] {strides = array<i32>} : memref<2x128x256xf32, #tpu.memory_space<vmem>>, vector<1x1x16xf32>,
      %parallel_loop3A_429 = vector.shape_cast %parallel_loop3A_428 : vector<1x1x16xf32> to vector<16xf32>
      %parallel_loop3A_430 = vector.shape_cast %parallel_loop3A_414 : vector<16xf32> to vector<1x1x16xf32>
      tpu.vector_store %arg7[%parallel_loop3A_425, %parallel_loop3A_426, %parallel_loop3A_427], %parallel_loop3A_430 {add = true, strides = array<i32>} : memref<2x128x256xf32, #tpu.memory_space<vmem>>, vector<1x1x16xf32>,
      %parallel_loop3A_431 = arith.index_cast %parallel_loop3A_190 : i32 to index
      %parallel_loop3A_432 = arith.constant 192 : index
      %parallel_loop3A_433 = tpu.vector_load %arg8[%parallel_loop3A_431, %parallel_loop3A_432] {strides = array<i32>} : memref<64x256xf32, #tpu.memory_space<vmem>>, vector<1x16xf32>,
      %parallel_loop3A_434 = vector.shape_cast %parallel_loop3A_433 : vector<1x16xf32> to vector<16xf32>
      %parallel_loop3A_435 = arith.constant 1 : i32
      %parallel_loop3A_436 = arith.index_cast %parallel_loop3A_435 : i32 to index
      %parallel_loop3A_437 = arith.index_cast %parallel_loop3A_190 : i32 to index
      %parallel_loop3A_438 = arith.constant 192 : index
      %parallel_loop3A_439 = tpu.vector_load %arg7[%parallel_loop3A_436, %parallel_loop3A_437, %parallel_loop3A_438] {strides = array<i32>} : memref<2x128x256xf32, #tpu.memory_space<vmem>>, vector<1x1x16xf32>,
      %parallel_loop3A_440 = vector.shape_cast %parallel_loop3A_439 : vector<1x1x16xf32> to vector<16xf32>
      %parallel_loop3A_441 = vector.shape_cast %parallel_loop3A_434 : vector<16xf32> to vector<1x1x16xf32>
      tpu.vector_store %arg7[%parallel_loop3A_436, %parallel_loop3A_437, %parallel_loop3A_438], %parallel_loop3A_441 {add = true, strides = array<i32>} : memref<2x128x256xf32, #tpu.memory_space<vmem>>, vector<1x1x16xf32>,
      %parallel_loop3A_442 = arith.constant 64 : i32
      %parallel_loop3A_443 = arith.addi %parallel_loop3A_442, %parallel_loop3A_190 : i32
      %parallel_loop3A_444 = arith.constant 1 : i32
      %parallel_loop3A_445 = arith.index_cast %parallel_loop3A_444 : i32 to index
      %parallel_loop3A_446 = arith.index_cast %parallel_loop3A_443 : i32 to index
      %parallel_loop3A_447 = arith.constant 192 : index
      %parallel_loop3A_448 = tpu.vector_load %arg7[%parallel_loop3A_445, %parallel_loop3A_446, %parallel_loop3A_447] {strides = array<i32>} : memref<2x128x256xf32, #tpu.memory_space<vmem>>, vector<1x1x16xf32>,
      %parallel_loop3A_449 = vector.shape_cast %parallel_loop3A_448 : vector<1x1x16xf32> to vector<16xf32>
      %parallel_loop3A_450 = vector.shape_cast %parallel_loop3A_434 : vector<16xf32> to vector<1x1x16xf32>
      tpu.vector_store %arg7[%parallel_loop3A_445, %parallel_loop3A_446, %parallel_loop3A_447], %parallel_loop3A_450 {add = true, strides = array<i32>} : memref<2x128x256xf32, #tpu.memory_space<vmem>>, vector<1x1x16xf32>,
      %parallel_loop3A_451 = arith.index_cast %parallel_loop3A_190 : i32 to index
      %parallel_loop3A_452 = arith.constant 208 : index
      %parallel_loop3A_453 = tpu.vector_load %arg8[%parallel_loop3A_451, %parallel_loop3A_452] {strides = array<i32>} : memref<64x256xf32, #tpu.memory_space<vmem>>, vector<1x16xf32>,
      %parallel_loop3A_454 = vector.shape_cast %parallel_loop3A_453 : vector<1x16xf32> to vector<16xf32>
      %parallel_loop3A_455 = arith.constant 1 : i32
      %parallel_loop3A_456 = arith.index_cast %parallel_loop3A_455 : i32 to index
      %parallel_loop3A_457 = arith.index_cast %parallel_loop3A_190 : i32 to index
      %parallel_loop3A_458 = arith.constant 208 : index
      %parallel_loop3A_459 = tpu.vector_load %arg7[%parallel_loop3A_456, %parallel_loop3A_457, %parallel_loop3A_458] {strides = array<i32>} : memref<2x128x256xf32, #tpu.memory_space<vmem>>, vector<1x1x16xf32>,
      %parallel_loop3A_460 = vector.shape_cast %parallel_loop3A_459 : vector<1x1x16xf32> to vector<16xf32>
      %parallel_loop3A_461 = vector.shape_cast %parallel_loop3A_454 : vector<16xf32> to vector<1x1x16xf32>
      tpu.vector_store %arg7[%parallel_loop3A_456, %parallel_loop3A_457, %parallel_loop3A_458], %parallel_loop3A_461 {add = true, strides = array<i32>} : memref<2x128x256xf32, #tpu.memory_space<vmem>>, vector<1x1x16xf32>,
      %parallel_loop3A_462 = arith.constant 64 : i32
      %parallel_loop3A_463 = arith.addi %parallel_loop3A_462, %parallel_loop3A_190 : i32
      %parallel_loop3A_464 = arith.constant 1 : i32
      %parallel_loop3A_465 = arith.index_cast %parallel_loop3A_464 : i32 to index
      %parallel_loop3A_466 = arith.index_cast %parallel_loop3A_463 : i32 to index
      %parallel_loop3A_467 = arith.constant 208 : index
      %parallel_loop3A_468 = tpu.vector_load %arg7[%parallel_loop3A_465, %parallel_loop3A_466, %parallel_loop3A_467] {strides = array<i32>} : memref<2x128x256xf32, #tpu.memory_space<vmem>>, vector<1x1x16xf32>,
      %parallel_loop3A_469 = vector.shape_cast %parallel_loop3A_468 : vector<1x1x16xf32> to vector<16xf32>
      %parallel_loop3A_470 = vector.shape_cast %parallel_loop3A_454 : vector<16xf32> to vector<1x1x16xf32>
      tpu.vector_store %arg7[%parallel_loop3A_465, %parallel_loop3A_466, %parallel_loop3A_467], %parallel_loop3A_470 {add = true, strides = array<i32>} : memref<2x128x256xf32, #tpu.memory_space<vmem>>, vector<1x1x16xf32>,
      %parallel_loop3A_471 = arith.index_cast %parallel_loop3A_190 : i32 to index
      %parallel_loop3A_472 = arith.constant 224 : index
      %parallel_loop3A_473 = tpu.vector_load %arg8[%parallel_loop3A_471, %parallel_loop3A_472] {strides = array<i32>} : memref<64x256xf32, #tpu.memory_space<vmem>>, vector<1x16xf32>,
      %parallel_loop3A_474 = vector.shape_cast %parallel_loop3A_473 : vector<1x16xf32> to vector<16xf32>
      %parallel_loop3A_475 = arith.constant 1 : i32
      %parallel_loop3A_476 = arith.index_cast %parallel_loop3A_475 : i32 to index
      %parallel_loop3A_477 = arith.index_cast %parallel_loop3A_190 : i32 to index
      %parallel_loop3A_478 = arith.constant 224 : index
      %parallel_loop3A_479 = tpu.vector_load %arg7[%parallel_loop3A_476, %parallel_loop3A_477, %parallel_loop3A_478] {strides = array<i32>} : memref<2x128x256xf32, #tpu.memory_space<vmem>>, vector<1x1x16xf32>,
      %parallel_loop3A_480 = vector.shape_cast %parallel_loop3A_479 : vector<1x1x16xf32> to vector<16xf32>
      %parallel_loop3A_481 = vector.shape_cast %parallel_loop3A_474 : vector<16xf32> to vector<1x1x16xf32>
      tpu.vector_store %arg7[%parallel_loop3A_476, %parallel_loop3A_477, %parallel_loop3A_478], %parallel_loop3A_481 {add = true, strides = array<i32>} : memref<2x128x256xf32, #tpu.memory_space<vmem>>, vector<1x1x16xf32>,
      %parallel_loop3A_482 = arith.constant 64 : i32
      %parallel_loop3A_483 = arith.addi %parallel_loop3A_482, %parallel_loop3A_190 : i32
      %parallel_loop3A_484 = arith.constant 1 : i32
      %parallel_loop3A_485 = arith.index_cast %parallel_loop3A_484 : i32 to index
      %parallel_loop3A_486 = arith.index_cast %parallel_loop3A_483 : i32 to index
      %parallel_loop3A_487 = arith.constant 224 : index
      %parallel_loop3A_488 = tpu.vector_load %arg7[%parallel_loop3A_485, %parallel_loop3A_486, %parallel_loop3A_487] {strides = array<i32>} : memref<2x128x256xf32, #tpu.memory_space<vmem>>, vector<1x1x16xf32>,
      %parallel_loop3A_489 = vector.shape_cast %parallel_loop3A_488 : vector<1x1x16xf32> to vector<16xf32>
      %parallel_loop3A_490 = vector.shape_cast %parallel_loop3A_474 : vector<16xf32> to vector<1x1x16xf32>
      tpu.vector_store %arg7[%parallel_loop3A_485, %parallel_loop3A_486, %parallel_loop3A_487], %parallel_loop3A_490 {add = true, strides = array<i32>} : memref<2x128x256xf32, #tpu.memory_space<vmem>>, vector<1x1x16xf32>,
      %parallel_loop3A_491 = arith.index_cast %parallel_loop3A_190 : i32 to index
      %parallel_loop3A_492 = arith.constant 240 : index
      %parallel_loop3A_493 = tpu.vector_load %arg8[%parallel_loop3A_491, %parallel_loop3A_492] {strides = array<i32>} : memref<64x256xf32, #tpu.memory_space<vmem>>, vector<1x16xf32>,
      %parallel_loop3A_494 = vector.shape_cast %parallel_loop3A_493 : vector<1x16xf32> to vector<16xf32>
      %parallel_loop3A_495 = arith.constant 1 : i32
      %parallel_loop3A_496 = arith.index_cast %parallel_loop3A_495 : i32 to index
      %parallel_loop3A_497 = arith.index_cast %parallel_loop3A_190 : i32 to index
      %parallel_loop3A_498 = arith.constant 240 : index
      %parallel_loop3A_499 = tpu.vector_load %arg7[%parallel_loop3A_496, %parallel_loop3A_497, %parallel_loop3A_498] {strides = array<i32>} : memref<2x128x256xf32, #tpu.memory_space<vmem>>, vector<1x1x16xf32>,
      %parallel_loop3A_500 = vector.shape_cast %parallel_loop3A_499 : vector<1x1x16xf32> to vector<16xf32>
      %parallel_loop3A_501 = vector.shape_cast %parallel_loop3A_494 : vector<16xf32> to vector<1x1x16xf32>
      tpu.vector_store %arg7[%parallel_loop3A_496, %parallel_loop3A_497, %parallel_loop3A_498], %parallel_loop3A_501 {add = true, strides = array<i32>} : memref<2x128x256xf32, #tpu.memory_space<vmem>>, vector<1x1x16xf32>,
      %parallel_loop3A_502 = arith.constant 64 : i32
      %parallel_loop3A_503 = arith.addi %parallel_loop3A_502, %parallel_loop3A_190 : i32
      %parallel_loop3A_504 = arith.constant 1 : i32
      %parallel_loop3A_505 = arith.index_cast %parallel_loop3A_504 : i32 to index
      %parallel_loop3A_506 = arith.index_cast %parallel_loop3A_503 : i32 to index
      %parallel_loop3A_507 = arith.constant 240 : index
      %parallel_loop3A_508 = tpu.vector_load %arg7[%parallel_loop3A_505, %parallel_loop3A_506, %parallel_loop3A_507] {strides = array<i32>} : memref<2x128x256xf32, #tpu.memory_space<vmem>>, vector<1x1x16xf32>,
      %parallel_loop3A_509 = vector.shape_cast %parallel_loop3A_508 : vector<1x1x16xf32> to vector<16xf32>
      %parallel_loop3A_510 = vector.shape_cast %parallel_loop3A_494 : vector<16xf32> to vector<1x1x16xf32>
      tpu.vector_store %arg7[%parallel_loop3A_505, %parallel_loop3A_506, %parallel_loop3A_507], %parallel_loop3A_510 {add = true, strides = array<i32>} : memref<2x128x256xf32, #tpu.memory_space<vmem>>, vector<1x1x16xf32>,
    } {sc.loop_unroll_factor = 1 : i64, sc.parallel_access}
    %add3A_108 = arith.constant 4096 : i32
    %add3A_109 = arith.addi %add3A_108, %mul3A_2 : i32
    %dma_start3A_110 = arith.constant 1 : i32
    %dma_start3A_111 = arith.constant 0 : i32
    %dma_start3A_112 = arith.constant 0 : i32
    %dma_start3A_113 = tpu.memref_slice %arg7[%dma_start3A_110, %dma_start3A_111, %dma_start3A_112] : memref<2x128x256xf32, #tpu.memory_space<vmem>> -> memref<1x64x256xf32, #tpu.memory_space<vmem>>
    %dma_start3A_114 = tpu.memref_squeeze %dma_start3A_113 : memref<1x64x256xf32, #tpu.memory_space<vmem>> -> memref<64x256xf32, #tpu.memory_space<vmem>>
    %dma_start3A_115 = arith.constant 0 : i32
    %dma_start3A_116 = tpu.memref_slice %arg5[%add3A_109, %dma_start3A_115] : memref<8192x256xf32, #tpu.memory_space<hbm>> -> memref<64x256xf32, #tpu.memory_space<hbm>>
    %dma_start3A_117 = arith.constant 0 : i32
    %dma_start3A_118 = tpu.memref_slice %arg5[%add3A_109, %dma_start3A_117] : memref<8192x256xf32, #tpu.memory_space<hbm>> -> memref<64x256xf32, #tpu.memory_space<hbm>>
    %dma_start3A_119 = arith.constant 0 : i32
    %dma_start3A_120 = arith.constant 0 : i32
    %dma_start3A_121 = tpu.memref_slice %arg7[%dma_start3A_110, %dma_start3A_119, %dma_start3A_120] : memref<2x128x256xf32, #tpu.memory_space<vmem>> -> memref<1x64x256xf32, #tpu.memory_space<vmem>>
    %dma_start3A_122 = tpu.memref_squeeze %dma_start3A_121 : memref<1x64x256xf32, #tpu.memory_space<vmem>> -> memref<64x256xf32, #tpu.memory_space<vmem>>
    tpu.enqueue_dma source(%dma_start3A_122 : memref<64x256xf32, #tpu.memory_space<vmem>>) target(%dma_start3A_118 : memref<64x256xf32, #tpu.memory_space<hbm>>) target_semaphore(%arg12 : memref<!tpu.dma_semaphore, #tpu.memory_space<semaphore_mem>>)
    %add3A_123 = arith.constant 6144 : i32
    %add3A_124 = arith.addi %add3A_123, %mul3A_2 : i32
    %dma_start3A_125 = arith.constant 1 : i32
    %dma_start3A_126 = arith.constant 64 : i32
    %dma_start3A_127 = arith.constant 0 : i32
    %dma_start3A_128 = tpu.memref_slice %arg7[%dma_start3A_125, %dma_start3A_126, %dma_start3A_127] : memref<2x128x256xf32, #tpu.memory_space<vmem>> -> memref<1x64x256xf32, #tpu.memory_space<vmem>>
    %dma_start3A_129 = tpu.memref_squeeze %dma_start3A_128 : memref<1x64x256xf32, #tpu.memory_space<vmem>> -> memref<64x256xf32, #tpu.memory_space<vmem>>
    %dma_start3A_130 = arith.constant 0 : i32
    %dma_start3A_131 = tpu.memref_slice %arg5[%add3A_124, %dma_start3A_130] : memref<8192x256xf32, #tpu.memory_space<hbm>> -> memref<64x256xf32, #tpu.memory_space<hbm>>
    %dma_start3A_132 = arith.constant 0 : i32
    %dma_start3A_133 = tpu.memref_slice %arg5[%add3A_124, %dma_start3A_132] : memref<8192x256xf32, #tpu.memory_space<hbm>> -> memref<64x256xf32, #tpu.memory_space<hbm>>
    %dma_start3A_134 = arith.constant 64 : i32
    %dma_start3A_135 = arith.constant 0 : i32
    %dma_start3A_136 = tpu.memref_slice %arg7[%dma_start3A_125, %dma_start3A_134, %dma_start3A_135] : memref<2x128x256xf32, #tpu.memory_space<vmem>> -> memref<1x64x256xf32, #tpu.memory_space<vmem>>
    %dma_start3A_137 = tpu.memref_squeeze %dma_start3A_136 : memref<1x64x256xf32, #tpu.memory_space<vmem>> -> memref<64x256xf32, #tpu.memory_space<vmem>>
    tpu.enqueue_dma source(%dma_start3A_137 : memref<64x256xf32, #tpu.memory_space<vmem>>) target(%dma_start3A_133 : memref<64x256xf32, #tpu.memory_space<hbm>>) target_semaphore(%arg12 : memref<!tpu.dma_semaphore, #tpu.memory_space<semaphore_mem>>)
    %dma_wait3A_138 = arith.constant 0 : i32
    %dma_wait3A_139 = arith.constant 0 : i32
    %dma_wait3A_140 = arith.constant 0 : i32
    %dma_wait3A_141 = tpu.memref_slice %arg7[%dma_wait3A_138, %dma_wait3A_139, %dma_wait3A_140] : memref<2x128x256xf32, #tpu.memory_space<vmem>> -> memref<1x64x256xf32, #tpu.memory_space<vmem>>
    %dma_wait3A_142 = tpu.memref_squeeze %dma_wait3A_141 : memref<1x64x256xf32, #tpu.memory_space<vmem>> -> memref<64x256xf32, #tpu.memory_space<vmem>>
    %dma_wait3A_143 = arith.constant 0 : i32
    %dma_wait3A_144 = tpu.memref_slice %arg5[%add3A_64, %dma_wait3A_143] : memref<8192x256xf32, #tpu.memory_space<hbm>> -> memref<64x256xf32, #tpu.memory_space<hbm>>
    %dma_wait3A_145 = arith.constant 0 : i32
    %dma_wait3A_146 = tpu.memref_slice %arg5[%add3A_64, %dma_wait3A_145] : memref<8192x256xf32, #tpu.memory_space<hbm>> -> memref<64x256xf32, #tpu.memory_space<hbm>>
    %dma_wait3A_147 = arith.constant 0 : i32
    %dma_wait3A_148 = arith.constant 0 : i32
    %dma_wait3A_149 = tpu.memref_slice %arg7[%dma_wait3A_138, %dma_wait3A_147, %dma_wait3A_148] : memref<2x128x256xf32, #tpu.memory_space<vmem>> -> memref<1x64x256xf32, #tpu.memory_space<vmem>>
    %dma_wait3A_150 = tpu.memref_squeeze %dma_wait3A_149 : memref<1x64x256xf32, #tpu.memory_space<vmem>> -> memref<64x256xf32, #tpu.memory_space<vmem>>
    tpu.wait_dma2 semaphore(%arg12 : memref<!tpu.dma_semaphore, #tpu.memory_space<semaphore_mem>>) src(%dma_wait3A_150 : memref<64x256xf32, #tpu.memory_space<vmem>>) dst(%dma_wait3A_146 : memref<64x256xf32, #tpu.memory_space<hbm>>)
    %dma_wait3A_151 = arith.constant 0 : i32
    %dma_wait3A_152 = arith.constant 64 : i32
    %dma_wait3A_153 = arith.constant 0 : i32
    %dma_wait3A_154 = tpu.memref_slice %arg7[%dma_wait3A_151, %dma_wait3A_152, %dma_wait3A_153] : memref<2x128x256xf32, #tpu.memory_space<vmem>> -> memref<1x64x256xf32, #tpu.memory_space<vmem>>
    %dma_wait3A_155 = tpu.memref_squeeze %dma_wait3A_154 : memref<1x64x256xf32, #tpu.memory_space<vmem>> -> memref<64x256xf32, #tpu.memory_space<vmem>>
    %dma_wait3A_156 = arith.constant 0 : i32
    %dma_wait3A_157 = tpu.memref_slice %arg5[%add3A_79, %dma_wait3A_156] : memref<8192x256xf32, #tpu.memory_space<hbm>> -> memref<64x256xf32, #tpu.memory_space<hbm>>
    %dma_wait3A_158 = arith.constant 0 : i32
    %dma_wait3A_159 = tpu.memref_slice %arg5[%add3A_79, %dma_wait3A_158] : memref<8192x256xf32, #tpu.memory_space<hbm>> -> memref<64x256xf32, #tpu.memory_space<hbm>>
    %dma_wait3A_160 = arith.constant 64 : i32
    %dma_wait3A_161 = arith.constant 0 : i32
    %dma_wait3A_162 = tpu.memref_slice %arg7[%dma_wait3A_151, %dma_wait3A_160, %dma_wait3A_161] : memref<2x128x256xf32, #tpu.memory_space<vmem>> -> memref<1x64x256xf32, #tpu.memory_space<vmem>>
    %dma_wait3A_163 = tpu.memref_squeeze %dma_wait3A_162 : memref<1x64x256xf32, #tpu.memory_space<vmem>> -> memref<64x256xf32, #tpu.memory_space<vmem>>
    tpu.wait_dma2 semaphore(%arg12 : memref<!tpu.dma_semaphore, #tpu.memory_space<semaphore_mem>>) src(%dma_wait3A_163 : memref<64x256xf32, #tpu.memory_space<vmem>>) dst(%dma_wait3A_159 : memref<64x256xf32, #tpu.memory_space<hbm>>)
    %dma_wait3A_164 = arith.constant 1 : i32
    %dma_wait3A_165 = arith.constant 0 : i32
    %dma_wait3A_166 = arith.constant 0 : i32
    %dma_wait3A_167 = tpu.memref_slice %arg7[%dma_wait3A_164, %dma_wait3A_165, %dma_wait3A_166] : memref<2x128x256xf32, #tpu.memory_space<vmem>> -> memref<1x64x256xf32, #tpu.memory_space<vmem>>
    %dma_wait3A_168 = tpu.memref_squeeze %dma_wait3A_167 : memref<1x64x256xf32, #tpu.memory_space<vmem>> -> memref<64x256xf32, #tpu.memory_space<vmem>>
    %dma_wait3A_169 = arith.constant 0 : i32
    %dma_wait3A_170 = tpu.memref_slice %arg5[%add3A_109, %dma_wait3A_169] : memref<8192x256xf32, #tpu.memory_space<hbm>> -> memref<64x256xf32, #tpu.memory_space<hbm>>
    %dma_wait3A_171 = arith.constant 0 : i32
    %dma_wait3A_172 = tpu.memref_slice %arg5[%add3A_109, %dma_wait3A_171] : memref<8192x256xf32, #tpu.memory_space<hbm>> -> memref<64x256xf32, #tpu.memory_space<hbm>>
    %dma_wait3A_173 = arith.constant 0 : i32
    %dma_wait3A_174 = arith.constant 0 : i32
    %dma_wait3A_175 = tpu.memref_slice %arg7[%dma_wait3A_164, %dma_wait3A_173, %dma_wait3A_174] : memref<2x128x256xf32, #tpu.memory_space<vmem>> -> memref<1x64x256xf32, #tpu.memory_space<vmem>>
    %dma_wait3A_176 = tpu.memref_squeeze %dma_wait3A_175 : memref<1x64x256xf32, #tpu.memory_space<vmem>> -> memref<64x256xf32, #tpu.memory_space<vmem>>
    tpu.wait_dma2 semaphore(%arg12 : memref<!tpu.dma_semaphore, #tpu.memory_space<semaphore_mem>>) src(%dma_wait3A_176 : memref<64x256xf32, #tpu.memory_space<vmem>>) dst(%dma_wait3A_172 : memref<64x256xf32, #tpu.memory_space<hbm>>)
    %dma_wait3A_177 = arith.constant 1 : i32
    %dma_wait3A_178 = arith.constant 64 : i32
    %dma_wait3A_179 = arith.constant 0 : i32
    %dma_wait3A_180 = tpu.memref_slice %arg7[%dma_wait3A_177, %dma_wait3A_178, %dma_wait3A_179] : memref<2x128x256xf32, #tpu.memory_space<vmem>> -> memref<1x64x256xf32, #tpu.memory_space<vmem>>
    %dma_wait3A_181 = tpu.memref_squeeze %dma_wait3A_180 : memref<1x64x256xf32, #tpu.memory_space<vmem>> -> memref<64x256xf32, #tpu.memory_space<vmem>>
    %dma_wait3A_182 = arith.constant 0 : i32
    %dma_wait3A_183 = tpu.memref_slice %arg5[%add3A_124, %dma_wait3A_182] : memref<8192x256xf32, #tpu.memory_space<hbm>> -> memref<64x256xf32, #tpu.memory_space<hbm>>
    %dma_wait3A_184 = arith.constant 0 : i32
    %dma_wait3A_185 = tpu.memref_slice %arg5[%add3A_124, %dma_wait3A_184] : memref<8192x256xf32, #tpu.memory_space<hbm>> -> memref<64x256xf32, #tpu.memory_space<hbm>>
    %dma_wait3A_186 = arith.constant 64 : i32
    %dma_wait3A_187 = arith.constant 0 : i32
    %dma_wait3A_188 = tpu.memref_slice %arg7[%dma_wait3A_177, %dma_wait3A_186, %dma_wait3A_187] : memref<2x128x256xf32, #tpu.memory_space<vmem>> -> memref<1x64x256xf32, #tpu.memory_space<vmem>>
    %dma_wait3A_189 = tpu.memref_squeeze %dma_wait3A_188 : memref<1x64x256xf32, #tpu.memory_space<vmem>> -> memref<64x256xf32, #tpu.memory_space<vmem>>
    tpu.wait_dma2 semaphore(%arg12 : memref<!tpu.dma_semaphore, #tpu.memory_space<semaphore_mem>>) src(%dma_wait3A_189 : memref<64x256xf32, #tpu.memory_space<vmem>>) dst(%dma_wait3A_185 : memref<64x256xf32, #tpu.memory_space<hbm>>)
    return
  }
}

</mosaic_0001>

<sc_bundles>
// kernel: kernel.3.cloned.1.call-start
scs
__scs_entry_jumppad:
0x0: {  	(pc) =	sbr.rel $0x88, $3  }
0x1: {  	(tag) =	ssettag $0x0;
	lr =	simm.s32 $0x1  }
0x2: {  	[smem:$0x3F9E] =	sst lr;
	_ =	strace $0xD0000000  }
0x3: {  	_ = 	snop  }
0x4: {  	_ = 	snop  }
0x5: {  	_ = 	snop  }
0x6: {  	_ = 	snop  }
0x7: {  	_ = 	snop  }
__scs_overlays_trampoline_lowered:
0x8: {  	[smem:$0x3FAD] =	sst s0  }
0x9: {  	[smem:$0x3FAE] =	sst s1  }
0xa: {  	[smem:$0x3FAF] =	sst s2  }
0xb: {  	[smem:$0x3FB0] =	sst s3  }
0xc: {  	[smem:$0x3FB1] =	sst s4  }
0xd: {  	[smem:$0x3FB2] =	sst s5  }
0xe: {  	[smem:$0x3FB3] =	sst s6  }
0xf: {  	[smem:$0x3FB4] =	sst s7  }
0x10: {  	[smem:$0x3FB5] =	sst s8  }
0x11: {  	[smem:$0x3FB6] =	sst s9;
	s0 =	simm.s32 @!p0 $0x0  }
0x12: {  	s1 =	sld [smem:$0x3F9C];
	s0 =	simm.s32 @p0 $0x1  }
0x13: {  	[smem:$0x3FB7] =	sst s0;
	s0 =	simm.s32 @!p1 $0x0  }
0x14: {  	s2 =	sld [smem:$0x3F9B];
	s0 =	simm.s32 @p1 $0x1  }
0x15: {  	[smem:$0x3FB8] =	sst s0;
	s0 =	simm.s32 @!p2 $0x0  }
0x16: {  	s3 =	sld [smem:$0x3FDB];
	s0 =	simm.s32 @p2 $0x1  }
0x17: {  	s4 =	simm.s32 $0x1BF5;
	[smem:$0x3FBA] =	sst s0  }
0x18: {  	s0 =	sld [smem:$0x3F9D];
	_ =	swait.ge [sflag:s4], $0x0  }
0x19: {  	s7 =	sld [smem:$0x3F9E]  }
0x1a: {  	s8 =	sadd.s32 $0xFFFFE003, lr  }
0x1b: {  	s9 =	sadd.s32 $0xFFFFFEF7, lr;
	s5 =	simm.s32 $0xFFFFFFFF;
	p2 =	slt.u32 s8, $0xFFFFF086  }
0x1c: {  	p1 =	slt.u32 s9, $0xF7A;
	s5 =	simm.s32 @!p2 $0x0  }
0x1d: {  	s5 =	simm.s32 @p1 $0x1;
	p0 =	seq.s32 s7, s2  }
0x1e: {  	s7 =	smul.u32 @!p0 $0xF7A, s2;
	p2 =	seq.s32 @!p0 s5, $0x0  }
0x1f: {  	s9 =	smul.u32 $0xF7A, s1;
	s8 =	simm.s32 @!p0 $0x1BF5;
	p2 =	por !p2, p0  }
0x20: {  	[sflag:s8] =	ssyncset.s32 @!p0 $0xFFFFF086;
	s6 =	sadd.s32 @!p0 s3, s7;
	s7 =	simm.s32 @!p0 $0x108  }
0x21: {  	s3 =	sadd.s32 s3, s9;
	s6 =	sadd.s32 @!p0 $0x88, s6;
	s7 =	simm.s32 @p2 $0x1082  }
0x22: {  	[simem:s7], [sflag:s8] =	dma.local @!p0 [hbm:s6], $0xF7A  }
0x23: {  	s9 =	sor.u32 $0xD0000000, s2;
	s6 =	simm.s32 $0x108;
	_ =	swait.ge @!p0 [sflag:s8], $0x0  }
0x24: {  	s3 =	sadd.s32 $0x88, s3;
	s6 =	simm.s32 @!p1 $0x1082;
	[sflag:s4] =	ssyncset.s32 $0xFFFFF086  }
0x25: {  	[simem:s6], [sflag:s4] =	dma.local [hbm:s3], $0xF7A  }
0x26: {  	[smem:$0x3F9E] =	sst s1;
	(tag) =	ssettag s2;
	_ =	strace s9  }
0x27: {  	s1 =	sld [smem:$0x3FAE]  }
0x28: {  	s2 =	sld [smem:$0x3FAF]  }
0x29: {  	s4 =	sld [smem:$0x3FB1]  }
0x2a: {  	p0 =	seq.s32 s5, $0x0;
	s5 =	sld [smem:$0x3FB2]  }
0x2b: {  	s6 =	sld [smem:$0x3FB3]  }
0x2c: {  	s7 =	sld [smem:$0x3FB4]  }
0x2d: {  	s3 =	simm.s32 $0x108;
	s8 =	sld [smem:$0x3FB5]  }
0x2e: {  	s3 =	simm.s32 @!p0 $0x1082;
	s9 =	sld [smem:$0x3FB6]  }
0x2f: {  	lr =	sadd.s32 s0, s3;
	s0 =	sld [smem:$0x3FAD]  }
0x30: {  	s3 =	sld [smem:$0x3FB0]  }
0x31: {  	[smem:$0x3FB9] =	sst s10  }
0x32: {  	s10 =	sld [smem:$0x3FB7];
	_ =	sdelay $0x3  }
0x33: {  	p0 =	seq.s32 s10, $0x1;
	s10 =	sld [smem:$0x3FB9];
	_ =	sdelay $0x3  }
0x34: {  	[smem:$0x3FB9] =	sst s10  }
0x35: {  	s10 =	sld [smem:$0x3FB8];
	_ =	sdelay $0x3  }
0x36: {  	p1 =	seq.s32 s10, $0x1;
	s10 =	sld [smem:$0x3FB9];
	_ =	sdelay $0x3  }
0x37: {  	[smem:$0x3FB9] =	sst s10  }
0x38: {  	s10 =	sld [smem:$0x3FBA]  }
0x39: {  	_ = 	snop;
	(pc) =	sbr.ind lr, $3  }
0x3a: {  	_ = 	snop  }
0x3b: {  	_ = 	snop  }
0x3c: {  	p2 =	seq.s32 s10, $0x1;
	s10 =	sld [smem:$0x3FB9]  }
0x3d: {  	_ =	shalt  }
0x3e: {  	_ =	shalt  }
0x3f: {  	_ =	shalt  }
0x40: {  	_ =	shalt  }
0x41: {  	_ =	shalt  }
0x42: {  	_ =	shalt  }
0x43: {  	_ =	shalt  }
0x44: {  	_ =	shalt  }
0x45: {  	_ =	shalt  }
0x46: {  	_ =	shalt  }
0x47: {  	_ =	shalt  }
0x48: {  	_ =	shalt  }
0x49: {  	_ =	shalt  }
0x4a: {  	_ =	shalt  }
0x4b: {  	_ =	shalt  }
0x4c: {  	_ =	shalt  }
0x4d: {  	_ =	shalt  }
0x4e: {  	_ =	shalt  }
0x4f: {  	_ =	shalt  }
0x50: {  	_ =	shalt  }
0x51: {  	_ =	shalt  }
0x52: {  	_ =	shalt  }
0x53: {  	_ =	shalt  }
0x54: {  	_ =	shalt  }
0x55: {  	_ =	shalt  }
0x56: {  	_ =	shalt  }
0x57: {  	_ =	shalt  }
0x58: {  	_ =	shalt  }
0x59: {  	_ =	shalt  }
0x5a: {  	_ =	shalt  }
0x5b: {  	_ =	shalt  }
0x5c: {  	_ =	shalt  }
0x5d: {  	_ =	shalt  }
0x5e: {  	_ =	shalt  }
0x5f: {  	_ =	shalt  }
0x60: {  	_ =	shalt  }
0x61: {  	_ =	shalt  }
0x62: {  	_ =	shalt  }
0x63: {  	_ =	shalt  }
0x64: {  	_ =	shalt  }
0x65: {  	_ =	shalt  }
0x66: {  	_ =	shalt  }
0x67: {  	_ =	shalt  }
0x68: {  	_ =	shalt  }
0x69: {  	_ =	shalt  }
0x6a: {  	_ =	shalt  }
0x6b: {  	_ =	shalt  }
0x6c: {  	_ =	shalt  }
0x6d: {  	_ =	shalt  }
0x6e: {  	_ =	shalt  }
0x6f: {  	_ =	shalt  }
0x70: {  	_ =	shalt  }
0x71: {  	_ =	shalt  }
0x72: {  	_ =	shalt  }
0x73: {  	_ =	shalt  }
0x74: {  	_ =	shalt  }
0x75: {  	_ =	shalt  }
0x76: {  	_ =	shalt  }
0x77: {  	_ =	shalt  }
0x78: {  	_ =	shalt  }
0x79: {  	_ =	shalt  }
0x7a: {  	_ =	shalt  }
0x7b: {  	_ =	shalt  }
0x7c: {  	_ =	shalt  }
0x7d: {  	_ =	shalt  }
0x7e: {  	_ =	shalt  }
0x7f: {  	_ =	shalt  }
0x80: {  	_ =	shalt  }
0x81: {  	_ =	shalt  }
0x82: {  	_ =	shalt  }
0x83: {  	_ =	shalt  }
0x84: {  	_ =	shalt  }
0x85: {  	_ =	shalt  }
0x86: {  	_ =	shalt  }
0x87: {  	_ =	shalt  }
.Lfunc_end0:
.L_simem_size_0:
called_computation_lowered:
.L_overlay_start_0:
0x88: {  	s2 =	sld [smem:$0x3FD9]  }
0x89: {  	s3 =	sld [smem:$0x3FFE];
	_ =	sdelay $0x1  }
0x8a: {  	s1 =	srdreg.scid  }
0x8b: {  	s0 =	sand.u32 $0x1, s1  }
0x8c: {  	s17 =	sshll.u32 s0, $0xA;
	s2 =	sadd.s32 s3, s2  }
0x8d: {  	s2 =	sadd.s32 s2, s17  }
0x8e: {  	[smem:$0x3FC5] =	sst s2  }
0x8f: {  	_ = 	snop  }
0x90: {  	s2 =	sld [smem:$0x3FC8]  }
0x91: {  	s18 =	sld [smem:$0x3FC7]  }
0x92: {  	s4 =	sld [smem:$0x3FD0];
	(tm) =	ssettm $0x1  }
0x93: {  	s5 =	sld [smem:$0x3FFB];
	_ =	sdelay $0x3  }
0x94: {  	_ =	strace s5  }
0x95: {  	s5 =	sld [smem:$0x3FFC];
	_ =	sdelay $0x3  }
0x96: {  	_ =	strace s5  }
0x97: {  	s5 =	sld [smem:$0x3FFD];
	_ =	sdelay $0x3  }
0x98: {  	_ =	strace s5  }
0x99: {  	_ =	strace $0x8FFFFFFF  }
0x9a: {  	s19 =	sld [smem:$0x3FDB];
	_ =	sdelay $0x1  }
0x9b: {  	s6 =	simm.s32 $_scs_section_size  }
0x9c: {  	s7 =	simm.s32 $_size__tile_overlayer_lowered;
	s8 =	simm.s32 $_tile_overlayer_lowered  }
0x9d: {  	s22 =	simm.s32 $0x1BFF;
	s21 =	sshll.u32 s8, $0x1;
	s5 =	sadd.s32 s6, s19  }
0x9e: {  	s9 =	simm.s32 $0x0;
	s20 =	sshll.u32 s7, $0x1;
	s7 =	sadd.s32 s21, s5  }
0x9f: {  	[timem:s9], [sflag:s22] =	dma.local [hbm:s7], s20  }
0xa0: {  	_ =	swait.ge [sflag:s22], s20  }
0xa1: {  	s6 =	ssub.s32 $0x0, s20;
	[sflag:s22] =	ssyncset.done $0x0  }
0xa2: {  	[sflag:s22] =	ssyncadd.s32 s6;
	_ =	sdelay $0x1  }
0xa3: {  	s23 =	simm.s32 $0x1B8B  }
0xa4: {  	_ =	swait.ge [sflag:s23], $0x1  }
0xa5: {  	[sflag:s23] =	ssyncset.done $0x0  }
0xa6: {  	s25 =	simm.s32 $0x1B8E;
	s24 =	sld [smem:$0x3FFE];
	[sflag:s23] =	ssyncadd.s32 $0xFFFFFFFF  }
0xa7: {  	s26 =	simm.s32 $execute0_lowered;
	[smem:$0x3FD2] =	sst s25  }
0xa8: {  	s7 =	sshll.u32 s26, $0x1;
	_ =	strace $0x80000046;
	[dreg:$0x1] =	wrdreg $0xFFFFFFFF  }
0xa9: {  	s28 =	simm.s32 $_size_execute0_lowered;
	s5 =	sadd.s32 s5, s7;
	[dreg:$0x0] =	wrdreg $0x0  }
0xaa: {  	s7 =	sshll.u32 s28, $0x1;
	[dreg:$0x2] =	wrdreg s5  }
0xab: {  	[dreg:$0x3] =	wrdreg s7  }
0xac: {  	[dreg:$0x4] =	wrdreg $0xC0  }
0xad: {  	_ =	task [dreg:s9], $0x5FFFF  }
0xae: {  	[dreg:$0x1] =	wrdreg $0xFFFFFFFF  }
0xaf: {  	[dreg:$0x0] =	wrdreg $0x60  }
0xb0: {  	[dreg:$0x2] =	wrdreg s24  }
0xb1: {  	[dreg:$0x3] =	wrdreg s2  }
0xb2: {  	[dreg:$0x4] =	wrdreg s18  }
0xb3: {  	[dreg:$0x5] =	wrdreg s4  }
0xb4: {  	[dreg:$0x6] =	wrdreg $0x9  }
0xb5: {  	_ =	task.clear_ibuf [dreg:s9], $0x7FFFF;
	_ =	strace $0x90000046  }
0xb6: {  	s29 =	simm.s32 $0x9;
	_ =	strace $0x80000048  }
0xb7: {  	_ =	swait.ge [sflag:s29], $0x1  }
0xb8: {  	[sflag:s29] =	ssyncadd.s32 $0xFFFFFFFF  }
0xb9: {  	_ =	strace $0x90000048  }
0xba: {  	_ =	sfence  }
0xbb: {  	s30 =	sld [smem:$0x0];
	_ =	sdelay $0x2  }
0xbc: {  	s31 =	sshll.u32 s1, $0xD;
	s1 =	sshrl.u32 s1, $0x2  }
0xbd: {  	s3 =	sand.u32 $0x4000, s31;
	s1 =	sadd.s32 s1, s30  }
0xbe: {  	s0 =	sor.u32 s3, s0;
	s1 =	sshll.u32 s1, $0x11  }
0xbf: {  	s0 =	sor.u32 s1, s0  }
0xc0: {  	s0 =	sadd.s32 $0x8F2B, s0  }
0xc1: {  	[sflag:s0] =	ssyncadd.remote.s32 $0x1  }
0xc2: {  	_ =	sfence.sel $0xFFFF  }
0xc3: {  	[dreg:$0x0] =	wrdreg $0xFFFFFFFF;
	(pc) =	sbr.abs _section_cstart, $3  }
0xc4: {  	[dreg:$0x1] =	wrdreg $0xFFFFFFFF  }
0xc5: {  	_ =	task.clear_ibuf [dreg:s9], $0x2FFFF;
	_ =	strace $0x9FFFFFFF  }
0xc6: {  	(tm) =	ssettm $0x7FFFFFFF  }
0xc7: {  	_ =	shalt  }
tec
execute0_lowered:
.L_overlay_start_1:
0x0: {  	(tag) =	ssettag $0x1  }
0x1: {  	s0 =	rddreg [dreg:$0x0]  }
0x2: {  	s1 =	rddreg [dreg:$0x1]  }
0x3: {  	s2 =	rddreg [dreg:$0x2]  }
0x4: {  	s6 =	rddreg [dreg:$0x3]  }
0x5: {  	s4 =	srdreg.scid;
	s5 =	stileid.u32  }
0x6: {  	s3 =	simm.s32 $0x0;
	s12 =	simm.s32 $0x1;
	s13 =	simm.s32 $0x100  }
0x7: {  	s21 =	simm.s32 $0x4100;
	s30 =	simm.s32 $0x8100;
	s16 =	simm.s32 $0xB900  }
0x8: {  	s17 =	simm.s32 $0xC100;
	s18 =	simm.s32 $0xC900;
	s19 =	simm.s32 $0xD100  }
0x9: {  	s20 =	simm.s32 $0xD900;
	s22 =	simm.s32 $0xE100;
	s23 =	simm.s32 $0xE900  }
0xa: {  	s24 =	simm.s32 $0xF100;
	s25 =	simm.s32 $0xF900;
	s28 =	simm.s32 $0x3  }
0xb: {  	s29 =	simm.s32 $0x4;
	s4 =	sand.u32 $0x1, s4;
	s5 =	sshll.u32 s5, $0x1  }
0xc: {  	s31 =	simm.s32 $0x0;
	[smem:$0x7FF] =	sst s3;
	s5 =	sor.u32 s4, s5  }
0xd: {  	s4 =	ssub.s32 $0x2, s4;
	_ =	strace $0x80000047;
	s7 =	sshll.u32 s5, $0x5  }
0xe: {  	s8 =	sshrl.u32 s4, $0x1;
	s26 =	sshll.u32 s5, $0xB;
	s0 =	sadd.s32 s7, s0  }
0xf: {  	v2 =	vlaneseq.u32;
	s10 =	ssub.s32 s4, s8;
	s5 =	sadd.s32 s2, s26;
	s6 =	sadd.s32 s6, s26  }
0x10: {  	vm0 =	vmmov $0xffff;
	v1 =	vshrl.u32 v2, $0x3;
	s26 =	simm.s32 $0x2;
	s4 =	sadd.s32 $0x400, s0;
	s7 =	sadd.s32 $0x10000, s6  }
0x11: {  	v0 =	vand.u32 $0x7, v2;
	v2 =	vor.u32 $0x8, v2;
	v1 =	vmul.u32 $0x8, v1;
	s8 =	sadd.s32 $0x20000, s6;
	s9 =	sadd.s32 $0x30000, s6;
	s10 =	smax.u32 s10, $0x1  }
.LBB2_1:
0x12: {  	[tilespmem:s3], [sflag:$0x1] =	stream.linear.gather [hbm4b:s4+s3], $0x100, $0x38;
	[tilespmem:$0x14100] =	vst v63  }
0x13: {  	s0 =	simm.s32 $0x10100  }
0x14: {  	[tilespmem:s0], [sflag:$0x2] =	stream.linear.gather [hbm4b:s5+s3], $0x4000, $0x38;
	[tilespmem:$0x14100] =	vst v63  }
0x15: {  	_ =	swait.ge [sflag:s12], $0x100  }
0x16: {  	[sflag:s12] =	ssyncset.done $0x0  }
0x17: {  	[sflag:s12] =	ssyncadd.s32 $0xFFFFFF00  }
0x18: {  	v3 =	vld [tilespmem:$0x0];
	_ =	sdelay $0x4  }
0x19: {  	v4 =	vshll.u32 v3, $0x1  }
0x1a: {  	v3 =	vand.u32 $0x7, v3;
	v4 =	vand.u32 $0xFFFFFFF0, v4  }
0x1b: {  	v3 =	vor.u32 v3, v4  }
0x1c: {  	v4 =	vperm.xlane v3, v0;
	_ =	sdelay $0x1  }
0x1d: {  	v3 =	vperm.xlane v3, v2;
	v4 =	vadd.s32 v1, v4;
	_ =	sdelay $0x1  }
0x1e: {  	v3 =	vadd.s32 v1, v3;
	_ =	sdelay $0x2  }
0x1f: {  	[tilespmem:s13], [sflag:$0x3] =	stream.indirect_vreg.gather [hbm4b:s1+s3], $0x80, v4, vm0, $0xb8;
	[tilespmem:$0x14100] =	vst v63  }
0x20: {  	s15 =	simm.s32 $0x900  }
0x21: {  	[tilespmem:s15], [sflag:$0x3] =	stream.indirect_vreg.gather [hbm4b:s1+s3], $0x80, v3, vm0, $0xb8;
	[tilespmem:$0x14100] =	vst v63  }
0x22: {  	v3 =	vld [tilespmem:$0x10];
	_ =	sdelay $0x4  }
0x23: {  	v4 =	vshll.u32 v3, $0x1  }
0x24: {  	v3 =	vand.u32 $0x7, v3;
	v4 =	vand.u32 $0xFFFFFFF0, v4  }
0x25: {  	v3 =	vor.u32 v3, v4  }
0x26: {  	v4 =	vperm.xlane v3, v0;
	_ =	sdelay $0x1  }
0x27: {  	v3 =	vperm.xlane v3, v2;
	v4 =	vadd.s32 v1, v4;
	_ =	sdelay $0x1  }
0x28: {  	v3 =	vadd.s32 v1, v3;
	_ =	sdelay $0x1  }
0x29: {  	s2 =	simm.s32 $0x1100  }
0x2a: {  	[tilespmem:s2], [sflag:$0x3] =	stream.indirect_vreg.gather [hbm4b:s1+s3], $0x80, v4, vm0, $0xb8;
	[tilespmem:$0x14100] =	vst v63  }
0x2b: {  	s11 =	simm.s32 $0x1900  }
0x2c: {  	[tilespmem:s11], [sflag:$0x3] =	stream.indirect_vreg.gather [hbm4b:s1+s3], $0x80, v3, vm0, $0xb8;
	[tilespmem:$0x14100] =	vst v63  }
0x2d: {  	v3 =	vld [tilespmem:$0x20];
	_ =	sdelay $0x4  }
0x2e: {  	v4 =	vshll.u32 v3, $0x1  }
0x2f: {  	v3 =	vand.u32 $0x7, v3;
	v4 =	vand.u32 $0xFFFFFFF0, v4  }
0x30: {  	v3 =	vor.u32 v3, v4  }
0x31: {  	v4 =	vperm.xlane v3, v0;
	_ =	sdelay $0x1  }
0x32: {  	v3 =	vperm.xlane v3, v2;
	v4 =	vadd.s32 v1, v4;
	_ =	sdelay $0x1  }
0x33: {  	v3 =	vadd.s32 v1, v3;
	_ =	sdelay $0x1  }
0x34: {  	s14 =	simm.s32 $0x2100  }
0x35: {  	[tilespmem:s14], [sflag:$0x3] =	stream.indirect_vreg.gather [hbm4b:s1+s3], $0x80, v4, vm0, $0xb8;
	[tilespmem:$0x14100] =	vst v63  }
0x36: {  	s15 =	simm.s32 $0x2900  }
0x37: {  	[tilespmem:s15], [sflag:$0x3] =	stream.indirect_vreg.gather [hbm4b:s1+s3], $0x80, v3, vm0, $0xb8;
	[tilespmem:$0x14100] =	vst v63  }
0x38: {  	v3 =	vld [tilespmem:$0x30];
	_ =	sdelay $0x4  }
0x39: {  	v4 =	vshll.u32 v3, $0x1  }
0x3a: {  	v3 =	vand.u32 $0x7, v3;
	v4 =	vand.u32 $0xFFFFFFF0, v4  }
0x3b: {  	v3 =	vor.u32 v3, v4  }
0x3c: {  	v4 =	vperm.xlane v3, v0;
	_ =	sdelay $0x1  }
0x3d: {  	v3 =	vperm.xlane v3, v2;
	v4 =	vadd.s32 v1, v4;
	_ =	sdelay $0x1  }
0x3e: {  	v3 =	vadd.s32 v1, v3;
	_ =	sdelay $0x1  }
0x3f: {  	s2 =	simm.s32 $0x3100  }
0x40: {  	[tilespmem:s2], [sflag:$0x3] =	stream.indirect_vreg.gather [hbm4b:s1+s3], $0x80, v4, vm0, $0xb8;
	[tilespmem:$0x14100] =	vst v63  }
0x41: {  	s11 =	simm.s32 $0x3900  }
0x42: {  	[tilespmem:s11], [sflag:$0x3] =	stream.indirect_vreg.gather [hbm4b:s1+s3], $0x80, v3, vm0, $0xb8;
	[tilespmem:$0x14100] =	vst v63  }
0x43: {  	v3 =	vld [tilespmem:$0x40];
	_ =	sdelay $0x4  }
0x44: {  	v4 =	vshll.u32 v3, $0x1  }
0x45: {  	v3 =	vand.u32 $0x7, v3;
	v4 =	vand.u32 $0xFFFFFFF0, v4  }
0x46: {  	v3 =	vor.u32 v3, v4  }
0x47: {  	v4 =	vperm.xlane v3, v0;
	_ =	sdelay $0x1  }
0x48: {  	v3 =	vperm.xlane v3, v2;
	v4 =	vadd.s32 v1, v4;
	_ =	sdelay $0x1  }
0x49: {  	v3 =	vadd.s32 v1, v3;
	_ =	sdelay $0x2  }
0x4a: {  	[tilespmem:s21], [sflag:$0x3] =	stream.indirect_vreg.gather [hbm4b:s1+s3], $0x80, v4, vm0, $0xb8;
	[tilespmem:$0x14100] =	vst v63  }
0x4b: {  	s14 =	simm.s32 $0x4900  }
0x4c: {  	[tilespmem:s14], [sflag:$0x3] =	stream.indirect_vreg.gather [hbm4b:s1+s3], $0x80, v3, vm0, $0xb8;
	[tilespmem:$0x14100] =	vst v63  }
0x4d: {  	v3 =	vld [tilespmem:$0x50];
	_ =	sdelay $0x4  }
0x4e: {  	v4 =	vshll.u32 v3, $0x1  }
0x4f: {  	v3 =	vand.u32 $0x7, v3;
	v4 =	vand.u32 $0xFFFFFFF0, v4  }
0x50: {  	v3 =	vor.u32 v3, v4  }
0x51: {  	v4 =	vperm.xlane v3, v0;
	_ =	sdelay $0x1  }
0x52: {  	v3 =	vperm.xlane v3, v2;
	v4 =	vadd.s32 v1, v4;
	_ =	sdelay $0x1  }
0x53: {  	v3 =	vadd.s32 v1, v3;
	_ =	sdelay $0x1  }
0x54: {  	s15 =	simm.s32 $0x5100  }
0x55: {  	[tilespmem:s15], [sflag:$0x3] =	stream.indirect_vreg.gather [hbm4b:s1+s3], $0x80, v4, vm0, $0xb8;
	[tilespmem:$0x14100] =	vst v63  }
0x56: {  	s2 =	simm.s32 $0x5900  }
0x57: {  	[tilespmem:s2], [sflag:$0x3] =	stream.indirect_vreg.gather [hbm4b:s1+s3], $0x80, v3, vm0, $0xb8;
	[tilespmem:$0x14100] =	vst v63  }
0x58: {  	v3 =	vld [tilespmem:$0x60];
	_ =	sdelay $0x4  }
0x59: {  	v4 =	vshll.u32 v3, $0x1  }
0x5a: {  	v3 =	vand.u32 $0x7, v3;
	v4 =	vand.u32 $0xFFFFFFF0, v4  }
0x5b: {  	v3 =	vor.u32 v3, v4  }
0x5c: {  	v4 =	vperm.xlane v3, v0;
	_ =	sdelay $0x1  }
0x5d: {  	v3 =	vperm.xlane v3, v2;
	v4 =	vadd.s32 v1, v4;
	_ =	sdelay $0x1  }
0x5e: {  	v3 =	vadd.s32 v1, v3;
	_ =	sdelay $0x1  }
0x5f: {  	s11 =	simm.s32 $0x6100  }
0x60: {  	[tilespmem:s11], [sflag:$0x3] =	stream.indirect_vreg.gather [hbm4b:s1+s3], $0x80, v4, vm0, $0xb8;
	[tilespmem:$0x14100] =	vst v63  }
0x61: {  	s14 =	simm.s32 $0x6900  }
0x62: {  	[tilespmem:s14], [sflag:$0x3] =	stream.indirect_vreg.gather [hbm4b:s1+s3], $0x80, v3, vm0, $0xb8;
	[tilespmem:$0x14100] =	vst v63  }
0x63: {  	v3 =	vld [tilespmem:$0x70];
	_ =	sdelay $0x4  }
0x64: {  	v4 =	vshll.u32 v3, $0x1  }
0x65: {  	v3 =	vand.u32 $0x7, v3;
	v4 =	vand.u32 $0xFFFFFFF0, v4  }
0x66: {  	v3 =	vor.u32 v3, v4  }
0x67: {  	v4 =	vperm.xlane v3, v0;
	_ =	sdelay $0x1  }
0x68: {  	v3 =	vperm.xlane v3, v2;
	v4 =	vadd.s32 v1, v4;
	_ =	sdelay $0x1  }
0x69: {  	v3 =	vadd.s32 v1, v3;
	_ =	sdelay $0x1  }
0x6a: {  	s15 =	simm.s32 $0x7100  }
0x6b: {  	[tilespmem:s15], [sflag:$0x3] =	stream.indirect_vreg.gather [hbm4b:s1+s3], $0x80, v4, vm0, $0xb8;
	[tilespmem:$0x14100] =	vst v63  }
0x6c: {  	s2 =	simm.s32 $0x7900  }
0x6d: {  	[tilespmem:s2], [sflag:$0x3] =	stream.indirect_vreg.gather [hbm4b:s1+s3], $0x80, v3, vm0, $0xb8;
	[tilespmem:$0x14100] =	vst v63  }
0x6e: {  	v3 =	vld [tilespmem:$0x80];
	_ =	sdelay $0x4  }
0x6f: {  	v4 =	vshll.u32 v3, $0x1  }
0x70: {  	v3 =	vand.u32 $0x7, v3;
	v4 =	vand.u32 $0xFFFFFFF0, v4  }
0x71: {  	v3 =	vor.u32 v3, v4  }
0x72: {  	v4 =	vperm.xlane v3, v0;
	_ =	sdelay $0x1  }
0x73: {  	v3 =	vperm.xlane v3, v2;
	v4 =	vadd.s32 v1, v4;
	_ =	sdelay $0x1  }
0x74: {  	v3 =	vadd.s32 v1, v3;
	_ =	sdelay $0x2  }
0x75: {  	[tilespmem:s30], [sflag:$0x3] =	stream.indirect_vreg.gather [hbm4b:s1+s3], $0x80, v4, vm0, $0xb8;
	[tilespmem:$0x14100] =	vst v63  }
0x76: {  	s11 =	simm.s32 $0x8900  }
0x77: {  	[tilespmem:s11], [sflag:$0x3] =	stream.indirect_vreg.gather [hbm4b:s1+s3], $0x80, v3, vm0, $0xb8;
	[tilespmem:$0x14100] =	vst v63  }
0x78: {  	v3 =	vld [tilespmem:$0x90];
	_ =	sdelay $0x4  }
0x79: {  	v4 =	vshll.u32 v3, $0x1  }
0x7a: {  	v3 =	vand.u32 $0x7, v3;
	v4 =	vand.u32 $0xFFFFFFF0, v4  }
0x7b: {  	v3 =	vor.u32 v3, v4  }
0x7c: {  	v4 =	vperm.xlane v3, v0;
	_ =	sdelay $0x1  }
0x7d: {  	v3 =	vperm.xlane v3, v2;
	v4 =	vadd.s32 v1, v4;
	_ =	sdelay $0x1  }
0x7e: {  	v3 =	vadd.s32 v1, v3;
	_ =	sdelay $0x1  }
0x7f: {  	s14 =	simm.s32 $0x9100  }
0x80: {  	[tilespmem:s14], [sflag:$0x3] =	stream.indirect_vreg.gather [hbm4b:s1+s3], $0x80, v4, vm0, $0xb8;
	[tilespmem:$0x14100] =	vst v63  }
0x81: {  	s15 =	simm.s32 $0x9900  }
0x82: {  	[tilespmem:s15], [sflag:$0x3] =	stream.indirect_vreg.gather [hbm4b:s1+s3], $0x80, v3, vm0, $0xb8;
	[tilespmem:$0x14100] =	vst v63  }
0x83: {  	v3 =	vld [tilespmem:$0xA0];
	_ =	sdelay $0x4  }
0x84: {  	v4 =	vshll.u32 v3, $0x1  }
0x85: {  	v3 =	vand.u32 $0x7, v3;
	v4 =	vand.u32 $0xFFFFFFF0, v4  }
0x86: {  	v3 =	vor.u32 v3, v4  }
0x87: {  	v4 =	vperm.xlane v3, v0;
	_ =	sdelay $0x1  }
0x88: {  	v3 =	vperm.xlane v3, v2;
	v4 =	vadd.s32 v1, v4;
	_ =	sdelay $0x1  }
0x89: {  	v3 =	vadd.s32 v1, v3;
	_ =	sdelay $0x1  }
0x8a: {  	s2 =	simm.s32 $0xA100  }
0x8b: {  	[tilespmem:s2], [sflag:$0x3] =	stream.indirect_vreg.gather [hbm4b:s1+s3], $0x80, v4, vm0, $0xb8;
	[tilespmem:$0x14100] =	vst v63  }
0x8c: {  	s11 =	simm.s32 $0xA900  }
0x8d: {  	[tilespmem:s11], [sflag:$0x3] =	stream.indirect_vreg.gather [hbm4b:s1+s3], $0x80, v3, vm0, $0xb8;
	[tilespmem:$0x14100] =	vst v63  }
0x8e: {  	v3 =	vld [tilespmem:$0xB0];
	_ =	sdelay $0x4  }
0x8f: {  	v4 =	vshll.u32 v3, $0x1  }
0x90: {  	v3 =	vand.u32 $0x7, v3;
	v4 =	vand.u32 $0xFFFFFFF0, v4  }
0x91: {  	v3 =	vor.u32 v3, v4  }
0x92: {  	v4 =	vperm.xlane v3, v0;
	_ =	sdelay $0x1  }
0x93: {  	v3 =	vperm.xlane v3, v2;
	v4 =	vadd.s32 v1, v4;
	_ =	sdelay $0x1  }
0x94: {  	v3 =	vadd.s32 v1, v3;
	_ =	sdelay $0x1  }
0x95: {  	s14 =	simm.s32 $0xB100  }
0x96: {  	[tilespmem:s14], [sflag:$0x3] =	stream.indirect_vreg.gather [hbm4b:s1+s3], $0x80, v4, vm0, $0xb8;
	[tilespmem:$0x14100] =	vst v63  }
0x97: {  	_ = 	snop  }
0x98: {  	[tilespmem:s16], [sflag:$0x3] =	stream.indirect_vreg.gather [hbm4b:s1+s3], $0x80, v3, vm0, $0xb8;
	[tilespmem:$0x14100] =	vst v63  }
0x99: {  	v3 =	vld [tilespmem:$0xC0];
	_ =	sdelay $0x4  }
0x9a: {  	v4 =	vshll.u32 v3, $0x1  }
0x9b: {  	v3 =	vand.u32 $0x7, v3;
	v4 =	vand.u32 $0xFFFFFFF0, v4  }
0x9c: {  	v3 =	vor.u32 v3, v4  }
0x9d: {  	v4 =	vperm.xlane v3, v0;
	_ =	sdelay $0x1  }
0x9e: {  	v3 =	vperm.xlane v3, v2;
	v4 =	vadd.s32 v1, v4;
	_ =	sdelay $0x1  }
0x9f: {  	v3 =	vadd.s32 v1, v3;
	_ =	sdelay $0x2  }
0xa0: {  	[tilespmem:s17], [sflag:$0x3] =	stream.indirect_vreg.gather [hbm4b:s1+s3], $0x80, v4, vm0, $0xb8;
	[tilespmem:$0x14100] =	vst v63  }
0xa1: {  	_ = 	snop  }
0xa2: {  	[tilespmem:s18], [sflag:$0x3] =	stream.indirect_vreg.gather [hbm4b:s1+s3], $0x80, v3, vm0, $0xb8;
	[tilespmem:$0x14100] =	vst v63  }
0xa3: {  	v3 =	vld [tilespmem:$0xD0];
	_ =	sdelay $0x4  }
0xa4: {  	v4 =	vshll.u32 v3, $0x1  }
0xa5: {  	v3 =	vand.u32 $0x7, v3;
	v4 =	vand.u32 $0xFFFFFFF0, v4  }
0xa6: {  	v3 =	vor.u32 v3, v4  }
0xa7: {  	v4 =	vperm.xlane v3, v0;
	_ =	sdelay $0x1  }
0xa8: {  	v3 =	vperm.xlane v3, v2;
	v4 =	vadd.s32 v1, v4;
	_ =	sdelay $0x1  }
0xa9: {  	v3 =	vadd.s32 v1, v3;
	_ =	sdelay $0x2  }
0xaa: {  	[tilespmem:s19], [sflag:$0x3] =	stream.indirect_vreg.gather [hbm4b:s1+s3], $0x80, v4, vm0, $0xb8;
	[tilespmem:$0x14100] =	vst v63  }
0xab: {  	_ = 	snop  }
0xac: {  	[tilespmem:s20], [sflag:$0x3] =	stream.indirect_vreg.gather [hbm4b:s1+s3], $0x80, v3, vm0, $0xb8;
	[tilespmem:$0x14100] =	vst v63  }
0xad: {  	v3 =	vld [tilespmem:$0xE0];
	_ =	sdelay $0x4  }
0xae: {  	v4 =	vshll.u32 v3, $0x1  }
0xaf: {  	v3 =	vand.u32 $0x7, v3;
	v4 =	vand.u32 $0xFFFFFFF0, v4  }
0xb0: {  	v3 =	vor.u32 v3, v4  }
0xb1: {  	v4 =	vperm.xlane v3, v0;
	_ =	sdelay $0x1  }
0xb2: {  	v3 =	vperm.xlane v3, v2;
	v4 =	vadd.s32 v1, v4;
	_ =	sdelay $0x1  }
0xb3: {  	v3 =	vadd.s32 v1, v3;
	_ =	sdelay $0x2  }
0xb4: {  	[tilespmem:s22], [sflag:$0x3] =	stream.indirect_vreg.gather [hbm4b:s1+s3], $0x80, v4, vm0, $0xb8;
	[tilespmem:$0x14100] =	vst v63  }
0xb5: {  	_ = 	snop  }
0xb6: {  	[tilespmem:s23], [sflag:$0x3] =	stream.indirect_vreg.gather [hbm4b:s1+s3], $0x80, v3, vm0, $0xb8;
	[tilespmem:$0x14100] =	vst v63  }
0xb7: {  	v3 =	vld [tilespmem:$0xF0];
	_ =	sdelay $0x4  }
0xb8: {  	v4 =	vshll.u32 v3, $0x1  }
0xb9: {  	v3 =	vand.u32 $0x7, v3;
	v4 =	vand.u32 $0xFFFFFFF0, v4  }
0xba: {  	v3 =	vor.u32 v3, v4  }
0xbb: {  	v4 =	vperm.xlane v3, v0;
	_ =	sdelay $0x1  }
0xbc: {  	v3 =	vperm.xlane v3, v2;
	v4 =	vadd.s32 v1, v4;
	_ =	sdelay $0x1  }
0xbd: {  	v3 =	vadd.s32 v1, v3;
	_ =	sdelay $0x2  }
0xbe: {  	[tilespmem:s24], [sflag:$0x3] =	stream.indirect_vreg.gather [hbm4b:s1+s3], $0x80, v4, vm0, $0xb8;
	[tilespmem:$0x14100] =	vst v63  }
0xbf: {  	_ = 	snop  }
0xc0: {  	[tilespmem:s25], [sflag:$0x3] =	stream.indirect_vreg.gather [hbm4b:s1+s3], $0x80, v3, vm0, $0xb8;
	[tilespmem:$0x14100] =	vst v63  }
0xc1: {  	_ =	swait.ge [sflag:s26], $0x4000  }
0xc2: {  	[sflag:s26] =	ssyncset.done $0x0  }
0xc3: {  	[sflag:s26] =	ssyncadd.s32 $0xFFFFC000  }
0xc4: {  	_ =	swait.ge [sflag:s28], $0x8000  }
0xc5: {  	s15 =	sand.u32 $0x3800, s3;
	s2 =	sand.u32 $0x380, s3;
	[sflag:s28] =	ssyncset.done $0x0  }
0xc6: {  	s0 =	sor.u32 s2, s15;
	[sflag:s28] =	ssyncadd.s32 $0xFFFF8000  }
0xc7: {  	v3 =	vld [tilespmem:s0+$0x10570]  }
0xc8: {  	v4 =	vld [tilespmem:s0+$0x10100]  }
0xc9: {  	v5 =	vld [tilespmem:s0+$0x10110]  }
0xca: {  	v6 =	vld [tilespmem:s0+$0x10120]  }
0xcb: {  	v7 =	vld [tilespmem:s0+$0x10130]  }
0xcc: {  	v8 =	vld [tilespmem:s0+$0x10140]  }
0xcd: {  	v9 =	vld [tilespmem:s0+$0x10150]  }
0xce: {  	v10 =	vld [tilespmem:s0+$0x10160]  }
0xcf: {  	v11 =	vld [tilespmem:s0+$0x10170]  }
0xd0: {  	v12 =	vld [tilespmem:s0+$0x10500]  }
0xd1: {  	v13 =	vld [tilespmem:s0+$0x10510]  }
0xd2: {  	v14 =	vld [tilespmem:s0+$0x10520]  }
0xd3: {  	v15 =	vld [tilespmem:s0+$0x10530]  }
0xd4: {  	v16 =	vld [tilespmem:s0+$0x10540]  }
0xd5: {  	v17 =	vld [tilespmem:s0+$0x10550]  }
0xd6: {  	v18 =	vld [tilespmem:s0+$0x10560]  }
0xd7: {  	[tilespmem:s0+$0x4570] =	vst.add.f32.msk $0xffff, v3  }
0xd8: {  	[tilespmem:s0+$0x100] =	vst.add.f32.msk $0xffff, v4  }
0xd9: {  	[tilespmem:s0+$0x4100] =	vst.add.f32.msk $0xffff, v4  }
0xda: {  	[tilespmem:s0+$0x110] =	vst.add.f32.msk $0xffff, v5  }
0xdb: {  	[tilespmem:s0+$0x4110] =	vst.add.f32.msk $0xffff, v5  }
0xdc: {  	[tilespmem:s0+$0x120] =	vst.add.f32.msk $0xffff, v6  }
0xdd: {  	[tilespmem:s0+$0x4120] =	vst.add.f32.msk $0xffff, v6  }
0xde: {  	[tilespmem:s0+$0x130] =	vst.add.f32.msk $0xffff, v7  }
0xdf: {  	[tilespmem:s0+$0x4130] =	vst.add.f32.msk $0xffff, v7  }
0xe0: {  	[tilespmem:s0+$0x140] =	vst.add.f32.msk $0xffff, v8  }
0xe1: {  	[tilespmem:s0+$0x4140] =	vst.add.f32.msk $0xffff, v8  }
0xe2: {  	[tilespmem:s0+$0x150] =	vst.add.f32.msk $0xffff, v9  }
0xe3: {  	[tilespmem:s0+$0x4150] =	vst.add.f32.msk $0xffff, v9  }
0xe4: {  	[tilespmem:s0+$0x160] =	vst.add.f32.msk $0xffff, v10  }
0xe5: {  	[tilespmem:s0+$0x4160] =	vst.add.f32.msk $0xffff, v10  }
0xe6: {  	[tilespmem:s0+$0x170] =	vst.add.f32.msk $0xffff, v11  }
0xe7: {  	[tilespmem:s0+$0x4170] =	vst.add.f32.msk $0xffff, v11  }
0xe8: {  	[tilespmem:s0+$0x500] =	vst.add.f32.msk $0xffff, v12  }
0xe9: {  	[tilespmem:s0+$0x4500] =	vst.add.f32.msk $0xffff, v12  }
0xea: {  	[tilespmem:s0+$0x510] =	vst.add.f32.msk $0xffff, v13  }
0xeb: {  	[tilespmem:s0+$0x4510] =	vst.add.f32.msk $0xffff, v13  }
0xec: {  	[tilespmem:s0+$0x520] =	vst.add.f32.msk $0xffff, v14  }
0xed: {  	[tilespmem:s0+$0x4520] =	vst.add.f32.msk $0xffff, v14  }
0xee: {  	[tilespmem:s0+$0x530] =	vst.add.f32.msk $0xffff, v15  }
0xef: {  	[tilespmem:s0+$0x4530] =	vst.add.f32.msk $0xffff, v15  }
0xf0: {  	[tilespmem:s0+$0x540] =	vst.add.f32.msk $0xffff, v16  }
0xf1: {  	[tilespmem:s0+$0x4540] =	vst.add.f32.msk $0xffff, v16  }
0xf2: {  	[tilespmem:s0+$0x550] =	vst.add.f32.msk $0xffff, v17  }
0xf3: {  	[tilespmem:s0+$0x4550] =	vst.add.f32.msk $0xffff, v17  }
0xf4: {  	s2 =	simm.s32 $0x80;
	s11 =	simm.s32 $0x100;
	[tilespmem:s0+$0x560] =	vst.add.f32.msk $0xffff, v18  }
0xf5: {  	s15 =	sand.u32 $0x380, s2;
	s14 =	sand.u32 $0x3800, s11;
	s11 =	simm.s32 $0x200;
	[tilespmem:s0+$0x4560] =	vst.add.f32.msk $0xffff, v18  }
.LBB2_2:
0xf6: {  	p0 =	sne.s32 s11, $0x3F00;
	[tilespmem:s0+$0x570] =	vst.add.f32.msk $0xffff, v3;
	s0 =	sor.u32 s15, s14  }
0xf7: {  	v3 =	vld [tilespmem:s0+$0x10570]  }
0xf8: {  	v4 =	vld [tilespmem:s0+$0x10100]  }
0xf9: {  	v5 =	vld [tilespmem:s0+$0x10110]  }
0xfa: {  	v6 =	vld [tilespmem:s0+$0x10120]  }
0xfb: {  	v7 =	vld [tilespmem:s0+$0x10130]  }
0xfc: {  	[tilespmem:s0+$0x4570] =	vst.add.f32.msk $0xffff, v3  }
0xfd: {  	v8 =	vld [tilespmem:s0+$0x10140]  }
0xfe: {  	v9 =	vld [tilespmem:s0+$0x10150]  }
0xff: {  	v10 =	vld [tilespmem:s0+$0x10160]  }
0x100: {  	v11 =	vld [tilespmem:s0+$0x10170]  }
0x101: {  	v12 =	vld [tilespmem:s0+$0x10500]  }
0x102: {  	v13 =	vld [tilespmem:s0+$0x10510]  }
0x103: {  	v14 =	vld [tilespmem:s0+$0x10520]  }
0x104: {  	v15 =	vld [tilespmem:s0+$0x10530]  }
0x105: {  	v16 =	vld [tilespmem:s0+$0x10540]  }
0x106: {  	v17 =	vld [tilespmem:s0+$0x10550]  }
0x107: {  	v18 =	vld [tilespmem:s0+$0x10560]  }
0x108: {  	[tilespmem:s0+$0x100] =	vst.add.f32.msk $0xffff, v4  }
0x109: {  	[tilespmem:s0+$0x4100] =	vst.add.f32.msk $0xffff, v4  }
0x10a: {  	[tilespmem:s0+$0x110] =	vst.add.f32.msk $0xffff, v5  }
0x10b: {  	[tilespmem:s0+$0x4110] =	vst.add.f32.msk $0xffff, v5  }
0x10c: {  	[tilespmem:s0+$0x120] =	vst.add.f32.msk $0xffff, v6  }
0x10d: {  	[tilespmem:s0+$0x4120] =	vst.add.f32.msk $0xffff, v6  }
0x10e: {  	[tilespmem:s0+$0x130] =	vst.add.f32.msk $0xffff, v7  }
0x10f: {  	[tilespmem:s0+$0x4130] =	vst.add.f32.msk $0xffff, v7  }
0x110: {  	[tilespmem:s0+$0x140] =	vst.add.f32.msk $0xffff, v8  }
0x111: {  	[tilespmem:s0+$0x4140] =	vst.add.f32.msk $0xffff, v8  }
0x112: {  	[tilespmem:s0+$0x150] =	vst.add.f32.msk $0xffff, v9  }
0x113: {  	[tilespmem:s0+$0x4150] =	vst.add.f32.msk $0xffff, v9  }
0x114: {  	[tilespmem:s0+$0x160] =	vst.add.f32.msk $0xffff, v10  }
0x115: {  	[tilespmem:s0+$0x4160] =	vst.add.f32.msk $0xffff, v10  }
0x116: {  	[tilespmem:s0+$0x170] =	vst.add.f32.msk $0xffff, v11  }
0x117: {  	[tilespmem:s0+$0x4170] =	vst.add.f32.msk $0xffff, v11  }
0x118: {  	[tilespmem:s0+$0x500] =	vst.add.f32.msk $0xffff, v12  }
0x119: {  	[tilespmem:s0+$0x4500] =	vst.add.f32.msk $0xffff, v12  }
0x11a: {  	[tilespmem:s0+$0x510] =	vst.add.f32.msk $0xffff, v13  }
0x11b: {  	[tilespmem:s0+$0x4510] =	vst.add.f32.msk $0xffff, v13  }
0x11c: {  	[tilespmem:s0+$0x520] =	vst.add.f32.msk $0xffff, v14  }
0x11d: {  	[tilespmem:s0+$0x4520] =	vst.add.f32.msk $0xffff, v14  }
0x11e: {  	[tilespmem:s0+$0x530] =	vst.add.f32.msk $0xffff, v15  }
0x11f: {  	[tilespmem:s0+$0x4530] =	vst.add.f32.msk $0xffff, v15  }
0x120: {  	[tilespmem:s0+$0x540] =	vst.add.f32.msk $0xffff, v16  }
.Ltmp0:
0x121: {  	[tilespmem:s0+$0x4540] =	vst.add.f32.msk $0xffff, v16;
	(pc) =	sbr.rel @p0 .LBB2_2-.Ltmp0, $4  }
0x122: {  	[tilespmem:s0+$0x550] =	vst.add.f32.msk $0xffff, v17  }
0x123: {  	[tilespmem:s0+$0x4550] =	vst.add.f32.msk $0xffff, v17  }
0x124: {  	s2 =	sadd.s32 $0x80, s2;
	[tilespmem:s0+$0x560] =	vst.add.f32.msk $0xffff, v18  }
0x125: {  	s14 =	sand.u32 $0x3800, s11;
	s11 =	sadd.s32 $0x100, s11;
	s15 =	sand.u32 $0x380, s2;
	[tilespmem:s0+$0x4560] =	vst.add.f32.msk $0xffff, v18  }
0x126: {  	s2 =	sor.u32 s15, s14;
	[tilespmem:s0+$0x570] =	vst.add.f32.msk $0xffff, v3  }
0x127: {  	v3 =	vld [tilespmem:s2+$0x10570]  }
0x128: {  	v4 =	vld [tilespmem:s2+$0x10100]  }
0x129: {  	v5 =	vld [tilespmem:s2+$0x10110]  }
0x12a: {  	v6 =	vld [tilespmem:s2+$0x10120]  }
0x12b: {  	v7 =	vld [tilespmem:s2+$0x10130]  }
0x12c: {  	v8 =	vld [tilespmem:s2+$0x10140]  }
0x12d: {  	v9 =	vld [tilespmem:s2+$0x10150]  }
0x12e: {  	v10 =	vld [tilespmem:s2+$0x10160]  }
0x12f: {  	v11 =	vld [tilespmem:s2+$0x10170]  }
0x130: {  	v12 =	vld [tilespmem:s2+$0x10500]  }
0x131: {  	v13 =	vld [tilespmem:s2+$0x10510]  }
0x132: {  	v14 =	vld [tilespmem:s2+$0x10520]  }
0x133: {  	v15 =	vld [tilespmem:s2+$0x10530]  }
0x134: {  	v16 =	vld [tilespmem:s2+$0x10540]  }
0x135: {  	v17 =	vld [tilespmem:s2+$0x10550]  }
0x136: {  	v18 =	vld [tilespmem:s2+$0x10560]  }
0x137: {  	[tilespmem:s2+$0x4570] =	vst.add.f32.msk $0xffff, v3  }
0x138: {  	[tilespmem:s2+$0x100] =	vst.add.f32.msk $0xffff, v4  }
0x139: {  	[tilespmem:s2+$0x4100] =	vst.add.f32.msk $0xffff, v4  }
0x13a: {  	[tilespmem:s2+$0x110] =	vst.add.f32.msk $0xffff, v5  }
0x13b: {  	[tilespmem:s2+$0x4110] =	vst.add.f32.msk $0xffff, v5  }
0x13c: {  	[tilespmem:s2+$0x120] =	vst.add.f32.msk $0xffff, v6  }
0x13d: {  	[tilespmem:s2+$0x4120] =	vst.add.f32.msk $0xffff, v6  }
0x13e: {  	[tilespmem:s2+$0x130] =	vst.add.f32.msk $0xffff, v7  }
0x13f: {  	[tilespmem:s2+$0x4130] =	vst.add.f32.msk $0xffff, v7  }
0x140: {  	[tilespmem:s2+$0x140] =	vst.add.f32.msk $0xffff, v8  }
0x141: {  	[tilespmem:s2+$0x4140] =	vst.add.f32.msk $0xffff, v8  }
0x142: {  	[tilespmem:s2+$0x150] =	vst.add.f32.msk $0xffff, v9  }
0x143: {  	[tilespmem:s2+$0x4150] =	vst.add.f32.msk $0xffff, v9  }
0x144: {  	[tilespmem:s2+$0x160] =	vst.add.f32.msk $0xffff, v10  }
0x145: {  	[tilespmem:s2+$0x4160] =	vst.add.f32.msk $0xffff, v10  }
0x146: {  	[tilespmem:s2+$0x170] =	vst.add.f32.msk $0xffff, v11  }
0x147: {  	[tilespmem:s2+$0x4170] =	vst.add.f32.msk $0xffff, v11  }
0x148: {  	[tilespmem:s2+$0x500] =	vst.add.f32.msk $0xffff, v12  }
0x149: {  	[tilespmem:s2+$0x4500] =	vst.add.f32.msk $0xffff, v12  }
0x14a: {  	[tilespmem:s2+$0x510] =	vst.add.f32.msk $0xffff, v13  }
0x14b: {  	[tilespmem:s2+$0x4510] =	vst.add.f32.msk $0xffff, v13  }
0x14c: {  	[tilespmem:s2+$0x520] =	vst.add.f32.msk $0xffff, v14  }
0x14d: {  	[tilespmem:s2+$0x4520] =	vst.add.f32.msk $0xffff, v14  }
0x14e: {  	[tilespmem:s2+$0x530] =	vst.add.f32.msk $0xffff, v15  }
0x14f: {  	[tilespmem:s2+$0x4530] =	vst.add.f32.msk $0xffff, v15  }
0x150: {  	[tilespmem:s2+$0x540] =	vst.add.f32.msk $0xffff, v16  }
0x151: {  	[tilespmem:s2+$0x4540] =	vst.add.f32.msk $0xffff, v16  }
0x152: {  	[tilespmem:s2+$0x550] =	vst.add.f32.msk $0xffff, v17  }
0x153: {  	[tilespmem:s2+$0x4550] =	vst.add.f32.msk $0xffff, v17  }
0x154: {  	[tilespmem:s2+$0x560] =	vst.add.f32.msk $0xffff, v18  }
0x155: {  	[tilespmem:s2+$0x4560] =	vst.add.f32.msk $0xffff, v18  }
0x156: {  	s14 =	simm.s32 $0x0;
	[tilespmem:s2+$0x570] =	vst.add.f32.msk $0xffff, v3  }
0x157: {  	[hbm4b:s6+s14] =	stream.linear.scatter [tilespmem:s13], [sflag:$0x4], $0x4000, $0x38;
	[tilespmem:$0x14100] =	vst v63  }
0x158: {  	_ = 	snop  }
0x159: {  	[hbm4b:s7+s14] =	stream.linear.scatter [tilespmem:s21], [sflag:$0x4], $0x4000, $0x38;
	[tilespmem:$0x14100] =	vst v63  }
0x15a: {  	_ =	swait.ge [sflag:s28], $0x8000  }
0x15b: {  	s15 =	sand.u32 $0x3800, s14;
	s0 =	sand.u32 $0x380, s14;
	[sflag:s28] =	ssyncset.done $0x0  }
0x15c: {  	s0 =	sor.u32 s0, s15;
	[sflag:s28] =	ssyncadd.s32 $0xFFFF8000  }
0x15d: {  	v3 =	vld [tilespmem:s0+$0x10570]  }
0x15e: {  	v4 =	vld [tilespmem:s0+$0x10100]  }
0x15f: {  	v5 =	vld [tilespmem:s0+$0x10110]  }
0x160: {  	v51 =	vld [tilespmem:s0+$0x10120]  }
0x161: {  	v52 =	vld [tilespmem:s0+$0x10130]  }
0x162: {  	v53 =	vld [tilespmem:s0+$0x10140]  }
0x163: {  	v54 =	vld [tilespmem:s0+$0x10150]  }
0x164: {  	v55 =	vld [tilespmem:s0+$0x10160]  }
0x165: {  	v56 =	vld [tilespmem:s0+$0x10170]  }
0x166: {  	v57 =	vld [tilespmem:s0+$0x10500]  }
0x167: {  	v58 =	vld [tilespmem:s0+$0x10510]  }
0x168: {  	v59 =	vld [tilespmem:s0+$0x10520]  }
0x169: {  	v60 =	vld [tilespmem:s0+$0x10530]  }
0x16a: {  	v61 =	vld [tilespmem:s0+$0x10540]  }
0x16b: {  	v62 =	vld [tilespmem:s0+$0x10550]  }
0x16c: {  	v63 =	vld [tilespmem:s0+$0x10560]  }
0x16d: {  	[tilespmem:s0+$0xC570] =	vst.add.f32.msk $0xffff, v3  }
0x16e: {  	[tilespmem:s0+$0x8100] =	vst.add.f32.msk $0xffff, v4  }
0x16f: {  	[tilespmem:s0+$0xC100] =	vst.add.f32.msk $0xffff, v4  }
0x170: {  	[tilespmem:s0+$0x8110] =	vst.add.f32.msk $0xffff, v5  }
0x171: {  	[tilespmem:s0+$0xC110] =	vst.add.f32.msk $0xffff, v5  }
0x172: {  	[tilespmem:s0+$0x8120] =	vst.add.f32.msk $0xffff, v51  }
0x173: {  	[tilespmem:s0+$0xC120] =	vst.add.f32.msk $0xffff, v51  }
0x174: {  	[tilespmem:s0+$0x8130] =	vst.add.f32.msk $0xffff, v52  }
0x175: {  	[tilespmem:s0+$0xC130] =	vst.add.f32.msk $0xffff, v52  }
0x176: {  	[tilespmem:s0+$0x8140] =	vst.add.f32.msk $0xffff, v53  }
0x177: {  	[tilespmem:s0+$0xC140] =	vst.add.f32.msk $0xffff, v53  }
0x178: {  	[tilespmem:s0+$0x8150] =	vst.add.f32.msk $0xffff, v54  }
0x179: {  	[tilespmem:s0+$0xC150] =	vst.add.f32.msk $0xffff, v54  }
0x17a: {  	[tilespmem:s0+$0x8160] =	vst.add.f32.msk $0xffff, v55  }
0x17b: {  	[tilespmem:s0+$0xC160] =	vst.add.f32.msk $0xffff, v55  }
0x17c: {  	[tilespmem:s0+$0x8170] =	vst.add.f32.msk $0xffff, v56  }
0x17d: {  	[tilespmem:s0+$0xC170] =	vst.add.f32.msk $0xffff, v56  }
0x17e: {  	[tilespmem:s0+$0x8500] =	vst.add.f32.msk $0xffff, v57  }
0x17f: {  	[tilespmem:s0+$0xC500] =	vst.add.f32.msk $0xffff, v57  }
0x180: {  	[tilespmem:s0+$0x8510] =	vst.add.f32.msk $0xffff, v58  }
0x181: {  	[tilespmem:s0+$0xC510] =	vst.add.f32.msk $0xffff, v58  }
0x182: {  	[tilespmem:s0+$0x8520] =	vst.add.f32.msk $0xffff, v59  }
0x183: {  	[tilespmem:s0+$0xC520] =	vst.add.f32.msk $0xffff, v59  }
0x184: {  	[tilespmem:s0+$0x8530] =	vst.add.f32.msk $0xffff, v60  }
0x185: {  	[tilespmem:s0+$0xC530] =	vst.add.f32.msk $0xffff, v60  }
0x186: {  	[tilespmem:s0+$0x8540] =	vst.add.f32.msk $0xffff, v61  }
0x187: {  	[tilespmem:s0+$0xC540] =	vst.add.f32.msk $0xffff, v61  }
0x188: {  	[tilespmem:s0+$0x8550] =	vst.add.f32.msk $0xffff, v62  }
0x189: {  	[tilespmem:s0+$0xC550] =	vst.add.f32.msk $0xffff, v62  }
0x18a: {  	s11 =	simm.s32 $0x100;
	s2 =	simm.s32 $0x80;
	[tilespmem:s0+$0x8560] =	vst.add.f32.msk $0xffff, v63  }
0x18b: {  	s15 =	sand.u32 $0x380, s2;
	s14 =	sand.u32 $0x3800, s11;
	s11 =	simm.s32 $0x200;
	[tilespmem:s0+$0xC560] =	vst.add.f32.msk $0xffff, v63  }
.LBB2_4:
0x18c: {  	p0 =	sne.s32 s11, $0x3F00;
	[tilespmem:s0+$0x8570] =	vst.add.f32.msk $0xffff, v3;
	s0 =	sor.u32 s15, s14  }
0x18d: {  	v3 =	vld [tilespmem:s0+$0x10570]  }
0x18e: {  	v4 =	vld [tilespmem:s0+$0x10100]  }
0x18f: {  	v5 =	vld [tilespmem:s0+$0x10110]  }
0x190: {  	v6 =	vld [tilespmem:s0+$0x10120]  }
0x191: {  	v7 =	vld [tilespmem:s0+$0x10130]  }
0x192: {  	[tilespmem:s0+$0xC570] =	vst.add.f32.msk $0xffff, v3  }
0x193: {  	v8 =	vld [tilespmem:s0+$0x10140]  }
0x194: {  	v9 =	vld [tilespmem:s0+$0x10150]  }
0x195: {  	v10 =	vld [tilespmem:s0+$0x10160]  }
0x196: {  	v11 =	vld [tilespmem:s0+$0x10170]  }
0x197: {  	v12 =	vld [tilespmem:s0+$0x10500]  }
0x198: {  	v13 =	vld [tilespmem:s0+$0x10510]  }
0x199: {  	v14 =	vld [tilespmem:s0+$0x10520]  }
0x19a: {  	v15 =	vld [tilespmem:s0+$0x10530]  }
0x19b: {  	v16 =	vld [tilespmem:s0+$0x10540]  }
0x19c: {  	v17 =	vld [tilespmem:s0+$0x10550]  }
0x19d: {  	v18 =	vld [tilespmem:s0+$0x10560]  }
0x19e: {  	[tilespmem:s0+$0x8100] =	vst.add.f32.msk $0xffff, v4  }
0x19f: {  	[tilespmem:s0+$0xC100] =	vst.add.f32.msk $0xffff, v4  }
0x1a0: {  	[tilespmem:s0+$0x8110] =	vst.add.f32.msk $0xffff, v5  }
0x1a1: {  	[tilespmem:s0+$0xC110] =	vst.add.f32.msk $0xffff, v5  }
0x1a2: {  	[tilespmem:s0+$0x8120] =	vst.add.f32.msk $0xffff, v6  }
0x1a3: {  	[tilespmem:s0+$0xC120] =	vst.add.f32.msk $0xffff, v6  }
0x1a4: {  	[tilespmem:s0+$0x8130] =	vst.add.f32.msk $0xffff, v7  }
0x1a5: {  	[tilespmem:s0+$0xC130] =	vst.add.f32.msk $0xffff, v7  }
0x1a6: {  	[tilespmem:s0+$0x8140] =	vst.add.f32.msk $0xffff, v8  }
0x1a7: {  	[tilespmem:s0+$0xC140] =	vst.add.f32.msk $0xffff, v8  }
0x1a8: {  	[tilespmem:s0+$0x8150] =	vst.add.f32.msk $0xffff, v9  }
0x1a9: {  	[tilespmem:s0+$0xC150] =	vst.add.f32.msk $0xffff, v9  }
0x1aa: {  	[tilespmem:s0+$0x8160] =	vst.add.f32.msk $0xffff, v10  }
0x1ab: {  	[tilespmem:s0+$0xC160] =	vst.add.f32.msk $0xffff, v10  }
0x1ac: {  	[tilespmem:s0+$0x8170] =	vst.add.f32.msk $0xffff, v11  }
0x1ad: {  	[tilespmem:s0+$0xC170] =	vst.add.f32.msk $0xffff, v11  }
0x1ae: {  	[tilespmem:s0+$0x8500] =	vst.add.f32.msk $0xffff, v12  }
0x1af: {  	[tilespmem:s0+$0xC500] =	vst.add.f32.msk $0xffff, v12  }
0x1b0: {  	[tilespmem:s0+$0x8510] =	vst.add.f32.msk $0xffff, v13  }
0x1b1: {  	[tilespmem:s0+$0xC510] =	vst.add.f32.msk $0xffff, v13  }
0x1b2: {  	[tilespmem:s0+$0x8520] =	vst.add.f32.msk $0xffff, v14  }
0x1b3: {  	[tilespmem:s0+$0xC520] =	vst.add.f32.msk $0xffff, v14  }
0x1b4: {  	[tilespmem:s0+$0x8530] =	vst.add.f32.msk $0xffff, v15  }
0x1b5: {  	[tilespmem:s0+$0xC530] =	vst.add.f32.msk $0xffff, v15  }
0x1b6: {  	[tilespmem:s0+$0x8540] =	vst.add.f32.msk $0xffff, v16  }
.Ltmp1:
0x1b7: {  	[tilespmem:s0+$0xC540] =	vst.add.f32.msk $0xffff, v16;
	(pc) =	sbr.rel @p0 .LBB2_4-.Ltmp1, $4  }
0x1b8: {  	[tilespmem:s0+$0x8550] =	vst.add.f32.msk $0xffff, v17  }
0x1b9: {  	[tilespmem:s0+$0xC550] =	vst.add.f32.msk $0xffff, v17  }
0x1ba: {  	s2 =	sadd.s32 $0x80, s2;
	[tilespmem:s0+$0x8560] =	vst.add.f32.msk $0xffff, v18  }
0x1bb: {  	s14 =	sand.u32 $0x3800, s11;
	s11 =	sadd.s32 $0x100, s11;
	s15 =	sand.u32 $0x380, s2;
	[tilespmem:s0+$0xC560] =	vst.add.f32.msk $0xffff, v18  }
0x1bc: {  	s2 =	sor.u32 s15, s14;
	[tilespmem:s0+$0x8570] =	vst.add.f32.msk $0xffff, v3  }
0x1bd: {  	v3 =	vld [tilespmem:s2+$0x10570]  }
0x1be: {  	v4 =	vld [tilespmem:s2+$0x10100]  }
0x1bf: {  	v5 =	vld [tilespmem:s2+$0x10110]  }
0x1c0: {  	v6 =	vld [tilespmem:s2+$0x10120]  }
0x1c1: {  	v7 =	vld [tilespmem:s2+$0x10130]  }
0x1c2: {  	v8 =	vld [tilespmem:s2+$0x10140]  }
0x1c3: {  	v9 =	vld [tilespmem:s2+$0x10150]  }
0x1c4: {  	v10 =	vld [tilespmem:s2+$0x10160]  }
0x1c5: {  	v11 =	vld [tilespmem:s2+$0x10170]  }
0x1c6: {  	v12 =	vld [tilespmem:s2+$0x10500]  }
0x1c7: {  	v13 =	vld [tilespmem:s2+$0x10510]  }
0x1c8: {  	v14 =	vld [tilespmem:s2+$0x10520]  }
0x1c9: {  	v15 =	vld [tilespmem:s2+$0x10530]  }
0x1ca: {  	v16 =	vld [tilespmem:s2+$0x10540]  }
0x1cb: {  	v17 =	vld [tilespmem:s2+$0x10550]  }
0x1cc: {  	v18 =	vld [tilespmem:s2+$0x10560]  }
0x1cd: {  	[tilespmem:s2+$0xC570] =	vst.add.f32.msk $0xffff, v3  }
0x1ce: {  	[tilespmem:s2+$0x8100] =	vst.add.f32.msk $0xffff, v4  }
0x1cf: {  	[tilespmem:s2+$0xC100] =	vst.add.f32.msk $0xffff, v4  }
0x1d0: {  	[tilespmem:s2+$0x8110] =	vst.add.f32.msk $0xffff, v5  }
0x1d1: {  	[tilespmem:s2+$0xC110] =	vst.add.f32.msk $0xffff, v5  }
0x1d2: {  	[tilespmem:s2+$0x8120] =	vst.add.f32.msk $0xffff, v6  }
0x1d3: {  	[tilespmem:s2+$0xC120] =	vst.add.f32.msk $0xffff, v6  }
0x1d4: {  	[tilespmem:s2+$0x8130] =	vst.add.f32.msk $0xffff, v7  }
0x1d5: {  	[tilespmem:s2+$0xC130] =	vst.add.f32.msk $0xffff, v7  }
0x1d6: {  	[tilespmem:s2+$0x8140] =	vst.add.f32.msk $0xffff, v8  }
0x1d7: {  	[tilespmem:s2+$0xC140] =	vst.add.f32.msk $0xffff, v8  }
0x1d8: {  	[tilespmem:s2+$0x8150] =	vst.add.f32.msk $0xffff, v9  }
0x1d9: {  	[tilespmem:s2+$0xC150] =	vst.add.f32.msk $0xffff, v9  }
0x1da: {  	[tilespmem:s2+$0x8160] =	vst.add.f32.msk $0xffff, v10  }
0x1db: {  	[tilespmem:s2+$0xC160] =	vst.add.f32.msk $0xffff, v10  }
0x1dc: {  	[tilespmem:s2+$0x8170] =	vst.add.f32.msk $0xffff, v11  }
0x1dd: {  	[tilespmem:s2+$0xC170] =	vst.add.f32.msk $0xffff, v11  }
0x1de: {  	[tilespmem:s2+$0x8500] =	vst.add.f32.msk $0xffff, v12  }
0x1df: {  	[tilespmem:s2+$0xC500] =	vst.add.f32.msk $0xffff, v12  }
0x1e0: {  	[tilespmem:s2+$0x8510] =	vst.add.f32.msk $0xffff, v13  }
0x1e1: {  	[tilespmem:s2+$0xC510] =	vst.add.f32.msk $0xffff, v13  }
0x1e2: {  	[tilespmem:s2+$0x8520] =	vst.add.f32.msk $0xffff, v14  }
0x1e3: {  	[tilespmem:s2+$0xC520] =	vst.add.f32.msk $0xffff, v14  }
0x1e4: {  	[tilespmem:s2+$0x8530] =	vst.add.f32.msk $0xffff, v15  }
0x1e5: {  	[tilespmem:s2+$0xC530] =	vst.add.f32.msk $0xffff, v15  }
0x1e6: {  	[tilespmem:s2+$0x8540] =	vst.add.f32.msk $0xffff, v16  }
0x1e7: {  	[tilespmem:s2+$0xC540] =	vst.add.f32.msk $0xffff, v16  }
0x1e8: {  	[tilespmem:s2+$0x8550] =	vst.add.f32.msk $0xffff, v17  }
0x1e9: {  	[tilespmem:s2+$0xC550] =	vst.add.f32.msk $0xffff, v17  }
0x1ea: {  	[tilespmem:s2+$0x8560] =	vst.add.f32.msk $0xffff, v18  }
0x1eb: {  	[tilespmem:s2+$0xC560] =	vst.add.f32.msk $0xffff, v18  }
0x1ec: {  	[tilespmem:s2+$0x8570] =	vst.add.f32.msk $0xffff, v3  }
0x1ed: {  	[hbm4b:s8+s3] =	stream.linear.scatter [tilespmem:s30], [sflag:$0x4], $0x4000, $0x38;
	[tilespmem:$0x14100] =	vst v63  }
0x1ee: {  	_ = 	snop  }
0x1ef: {  	[hbm4b:s9+s3] =	stream.linear.scatter [tilespmem:s17], [sflag:$0x4], $0x4000, $0x38;
	[tilespmem:$0x14100] =	vst v63  }
0x1f0: {  	_ =	swait.ge [sflag:s29], $0x4000  }
0x1f1: {  	[sflag:s29] =	ssyncset.done $0x0  }
0x1f2: {  	[sflag:s29] =	ssyncadd.s32 $0xFFFFC000  }
0x1f3: {  	_ =	swait.ge [sflag:s29], $0x4000  }
0x1f4: {  	[sflag:s29] =	ssyncset.done $0x0  }
0x1f5: {  	s31 =	sadd.s32 $0x1, s31;
	[sflag:s29] =	ssyncadd.s32 $0xFFFFC000  }
0x1f6: {  	p0 =	sne.s32 s31, s10;
	_ =	swait.ge [sflag:s29], $0x4000  }
.Ltmp2:
0x1f7: {  	[sflag:s29] =	ssyncset.done $0x0;
	(pc) =	sbr.rel @p0 .LBB2_1-.Ltmp2, $4  }
0x1f8: {  	[sflag:s29] =	ssyncadd.s32 $0xFFFFC000  }
0x1f9: {  	_ =	swait.ge [sflag:s29], $0x4000  }
0x1fa: {  	[sflag:s29] =	ssyncset.done $0x0  }
0x1fb: {  	[sflag:s29] =	ssyncadd.s32 $0xFFFFC000  }
0x1fc: {  	_ =	sfence.sel $0x180000  }
0x1fd: {  	[bflag:$0x0] =	sbarrier.arrive $0xFFFF  }
0x1fe: {  	_ =	strace $0x90000047  }
0x1ff: {  	s0 =	stileid.u32;
	[bflag:$0x2] =	sbarrier.arrive $0xFFFF  }
0x200: {  	p0 =	sne.s32 s0, $0x0;
	s0 =	rddreg [dreg:$0x4]  }
0x201: {  	s0 =	sadd.s32 @!p0 $0x100000, s0  }
0x202: {  	[sflag:s0] =	ssyncadd.tile.s32 @!p0 $0x1;
	_ =	shalt  }
.Lfunc_end2:
_tile_overlayer_lowered:
.L_overlay_start_2:
0x203: {  	(tag) =	ssettag $0x2  }
0x204: {  	s0 =	rddreg [dreg:$0x0];
	s2 =	stileid.u32  }
0x205: {  	s1 =	rddreg [dreg:$0x1];
	p0 =	sne.s32 s2, $0x0  }
0x206: {  	s3 =	rddreg [dreg:$0x2];
	[bflag:$0x3] =	sbarrier.arrive $0xFFFF;
	s2 =	simm.s32 @!p0 $0x1C05  }
0x207: {  	[timem:s3], [sflag:s2] =	dma.local @!p0 [hbm:s0], s1  }
0x208: {  	s0 =	simm.s32 @!p0 $0x5  }
0x209: {  	_ =	swait.ge @!p0 [sflag:s0], s1  }
0x20a: {  	s1 =	ssub.s32 @!p0 $0x0, s1;
	[sflag:s0] =	ssyncset.done @!p0 $0x0  }
0x20b: {  	[sflag:s0] =	ssyncadd.s32 @!p0 s1  }
0x20c: {  	[bflag:$0x3] =	sbarrier.arrive $0xFFFF  }
0x20d: {  	_ =	shalt  }

</sc_bundles>
